<compile_context>
chip_gen: v7x
topology: tpu7x:2x2x1
jax: 0.10.2.dev20260603
libtpu: 0.0.44.dev20260713+nightly
codegen_flags: <defaults>
</compile_context>

<pallas_src>
import functools

import jax
import jax.numpy as jnp
from jax import lax
from jax.experimental import pallas as pl
from jax.experimental.pallas import tpu as pltpu
from jax.experimental.pallas import tpu_sc as plsc

NC = 2
NS = 16
NW = NC * NS

R = 4
C = 2048
B = R * C
D = 1024
CHUNK = 16
NBUF = 6
B_PER_W = B // NW
CHUNKS = [CHUNK] * (B_PER_W // CHUNK - 1) + [CHUNK // 2, CHUNK // 2]
OFFS = [sum(CHUNKS[:i]) for i in range(len(CHUNKS))]
NCH = len(CHUNKS)
W_PER_ROW = C // B_PER_W

_mesh = plsc.VectorSubcoreMesh(core_axis_name="c", subcore_axis_name="s")


@functools.partial(
    pl.kernel,
    out_type=jax.ShapeDtypeStruct((B, D), jnp.float32),
    mesh=_mesh,
    scratch_types=[
        pltpu.VMEM((B_PER_W,), jnp.int32),
        [pltpu.VMEM((CHUNK, D), jnp.float32) for _ in range(NBUF)],
        [pltpu.SemaphoreType.DMA for _ in range(NBUF)],
        [pltpu.SemaphoreType.DMA for _ in range(NBUF)],
    ],
)
def _gather_kernel(idx_hbm, table_hbm, out_hbm, idx_v, bufs, gsems, wsems):
    wid = lax.axis_index("s") * NC + lax.axis_index("c")
    base = wid * B_PER_W
    row = wid // W_PER_ROW
    col = (wid % W_PER_ROW) * B_PER_W
    pltpu.sync_copy(idx_hbm.at[row, pl.ds(col, B_PER_W)], idx_v)

    gd = [None] * NCH
    wd = [None] * NBUF
    LAG = NBUF - 2

    def write(k):
        b = k % NBUF
        ch = CHUNKS[k]
        gd[k].wait()
        wd[b] = pltpu.async_copy(
            bufs[b].at[pl.ds(0, ch)],
            out_hbm.at[pl.ds(base + OFFS[k], ch)],
            wsems[b],
        )

    for j in range(NCH):
        b = j % NBUF
        if wd[b] is not None:
            wd[b].wait()
        ch = CHUNKS[j]
        gd[j] = pltpu.async_copy(
            table_hbm.at[idx_v.at[pl.ds(OFFS[j], ch)]],
            bufs[b].at[pl.ds(0, ch)],
            gsems[b],
        )
        if j >= LAG:
            write(j - LAG)
    for k in range(NCH - LAG, NCH):
        write(k)
    for b in range(NBUF):
        if wd[b] is not None:
            wd[b].wait()


def kernel(x, table):
    out = _gather_kernel(x.astype(jnp.int32), table)
    return out.reshape(x.shape + (D,))

# --- scband reference (transcript-rebuilt; emitter-appended) ---
"""Pipeline reference for scband-input-embeddings-8581344657992 (READ-ONLY COPY).

The authoritative reference and input builder live on the scoring server;
editing this copy changes nothing except your own understanding.
"""

import jax, jax.numpy as jnp
import numpy as np

VOCAB = 50000
DIM = 1024

def setup_inputs(seed: int = 0) -> dict:
    key = jax.random.key(seed)
    k1, k2 = jax.random.split(key)
    x = jax.random.randint(k1, (4, 2048), 0, VOCAB, dtype=jnp.int64)
    table = jax.random.normal(k2, (VOCAB, DIM), dtype=jnp.float32)
    return {"x": x, "table": table}

def reference(x, table):
    # nn.Embedding forward: gather rows of the table by index
    return jnp.take(table, x, axis=0)

if __name__ == "__main__":
    import jax
    _d = setup_inputs()
    print(jax.jit(kernel)(*tuple(_d.values())))

</pallas_src>

<mosaic_0001>
#map = affine_map<(d0, d1) -> (0, 0)>
module attributes {stable_mosaic.version = 14 : i64} {
  func.func @_gather_kernel(%arg0: i32, %arg1: i32, %arg2: memref<4x2048xi32, #tpu.memory_space<hbm>>, %arg3: memref<50000x1024xf32, #tpu.memory_space<hbm>>, %arg4: memref<8192x1024xf32, #tpu.memory_space<hbm>>, %arg5: memref<256xi32, #tpu.memory_space<vmem>>, %arg6: memref<16x1024xf32, #tpu.memory_space<vmem>>, %arg7: memref<16x1024xf32, #tpu.memory_space<vmem>>, %arg8: memref<16x1024xf32, #tpu.memory_space<vmem>>, %arg9: memref<16x1024xf32, #tpu.memory_space<vmem>>, %arg10: memref<16x1024xf32, #tpu.memory_space<vmem>>, %arg11: memref<16x1024xf32, #tpu.memory_space<vmem>>, %arg12: memref<!tpu.dma_semaphore, #tpu.memory_space<semaphore_mem>>, %arg13: memref<!tpu.dma_semaphore, #tpu.memory_space<semaphore_mem>>, %arg14: memref<!tpu.dma_semaphore, #tpu.memory_space<semaphore_mem>>, %arg15: memref<!tpu.dma_semaphore, #tpu.memory_space<semaphore_mem>>, %arg16: memref<!tpu.dma_semaphore, #tpu.memory_space<semaphore_mem>>, %arg17: memref<!tpu.dma_semaphore, #tpu.memory_space<semaphore_mem>>, %arg18: memref<!tpu.dma_semaphore, #tpu.memory_space<semaphore_mem>>, %arg19: memref<!tpu.dma_semaphore, #tpu.memory_space<semaphore_mem>>, %arg20: memref<!tpu.dma_semaphore, #tpu.memory_space<semaphore_mem>>, %arg21: memref<!tpu.dma_semaphore, #tpu.memory_space<semaphore_mem>>, %arg22: memref<!tpu.dma_semaphore, #tpu.memory_space<semaphore_mem>>, %arg23: memref<!tpu.dma_semaphore, #tpu.memory_space<semaphore_mem>>) attributes {dimension_semantics = [#tpu.dimension_semantics<core_parallel>, #tpu.dimension_semantics<subcore_parallel>], iteration_bounds = array<i64: 2, 16>, scalar_prefetch = 0 : i64, scratch_operands = 19 : i64, tpu.core_type = #tpu.core_type<sc_vector_subcore>, window_params = [{transform_indices = #map}, {transform_indices = #map}, {transform_indices = #map}]} {
    %mul3A = arith.constant 2 : i32
    %mul3A_0 = arith.muli %arg1, %mul3A : i32
    %add3A = arith.addi %mul3A_0, %arg0 : i32
    %mul3A_1 = arith.constant 256 : i32
    %mul3A_2 = arith.muli %add3A, %mul3A_1 : i32
    %jit3A = arith.constant 8 : i32
    %div3A = arith.divsi %add3A, %jit3A : i32
    %sign3A = arith.constant 0 : i32
    %sign3A_3 = arith.cmpi sgt, %add3A, %sign3A : i32
    %sign3A_4 = arith.extui %sign3A_3 : i1 to i32
    %sign3A_5 = arith.constant 0 : i32
    %sign3A_6 = arith.cmpi slt, %add3A, %sign3A_5 : i32
    %sign3A_7 = arith.extui %sign3A_6 : i1 to i32
    %sign3A_8 = arith.subi %sign3A_4, %sign3A_7 : i32
    %sign3A_9 = arith.constant 0 : i32
    %sign3A_10 = arith.cmpi sgt, %jit3A, %sign3A_9 : i32
    %sign3A_11 = arith.extui %sign3A_10 : i1 to i32
    %sign3A_12 = arith.constant 0 : i32
    %sign3A_13 = arith.cmpi slt, %jit3A, %sign3A_12 : i32
    %sign3A_14 = arith.extui %sign3A_13 : i1 to i32
    %sign3A_15 = arith.subi %sign3A_11, %sign3A_14 : i32
    %ne3A = arith.cmpi ne, %sign3A_8, %sign3A_15 : i32
    %rem3A = arith.remsi %add3A, %jit3A : i32
    %ne3A_16 = arith.constant 0 : i32
    %ne3A_17 = arith.cmpi ne, %rem3A, %ne3A_16 : i32
    %and3A = arith.andi %ne3A, %ne3A_17 : i1
    %sub3A = arith.constant 1 : i32
    %sub3A_18 = arith.subi %div3A, %sub3A : i32
    %select_n3A = arith.select %and3A, %sub3A_18, %div3A : i32
    %jit3A_19 = arith.constant 8 : i32
    %eq3A = arith.constant 0 : i32
    %eq3A_20 = arith.cmpi eq, %jit3A_19, %eq3A : i32
    %jit3A_21 = arith.constant 1 : i32
    %select_n3A_22 = arith.select %eq3A_20, %jit3A_21, %jit3A_19 : i32
    %rem3A_23 = arith.remsi %add3A, %select_n3A_22 : i32
    %ne3A_24 = arith.constant 0 : i32
    %ne3A_25 = arith.cmpi ne, %rem3A_23, %ne3A_24 : i32
    %lt3A = arith.constant 0 : i32
    %lt3A_26 = arith.cmpi slt, %rem3A_23, %lt3A : i32
    %lt3A_27 = arith.constant 0 : i32
    %lt3A_28 = arith.cmpi slt, %select_n3A_22, %lt3A_27 : i32
    %ne3A_29 = arith.xori %lt3A_26, %lt3A_28 : i1
    %and3A_30 = arith.andi %ne3A_29, %ne3A_25 : i1
    %add3A_31 = arith.addi %rem3A_23, %select_n3A_22 : i32
    %select_n3A_32 = arith.select %and3A_30, %add3A_31, %rem3A_23 : i32
    %mul3A_33 = arith.constant 256 : i32
    %mul3A_34 = arith.muli %select_n3A_32, %mul3A_33 : i32
    "tpu.region"() ({
      %run_scoped3A = tpu.sem_alloc : memref<!tpu.dma_semaphore, #tpu.memory_space<semaphore_mem>>
      %dma_start3A_679 = tpu.memref_slice %arg2[%select_n3A, %mul3A_34] : memref<4x2048xi32, #tpu.memory_space<hbm>> -> memref<1x256xi32, #tpu.memory_space<hbm>>
      %dma_start3A_680 = tpu.memref_squeeze %dma_start3A_679 : memref<1x256xi32, #tpu.memory_space<hbm>> -> memref<256xi32, #tpu.memory_space<hbm>>
      %dma_start3A_681 = tpu.memref_slice %arg2[%select_n3A, %mul3A_34] : memref<4x2048xi32, #tpu.memory_space<hbm>> -> memref<1x256xi32, #tpu.memory_space<hbm>>
      %dma_start3A_682 = tpu.memref_squeeze %dma_start3A_681 : memref<1x256xi32, #tpu.memory_space<hbm>> -> memref<256xi32, #tpu.memory_space<hbm>>
      tpu.enqueue_dma source(%dma_start3A_682 : memref<256xi32, #tpu.memory_space<hbm>>) target(%arg5 : memref<256xi32, #tpu.memory_space<vmem>>) target_semaphore(%run_scoped3A : memref<!tpu.dma_semaphore, #tpu.memory_space<semaphore_mem>>)
      %dma_wait3A_683 = tpu.memref_slice %arg2[%select_n3A, %mul3A_34] : memref<4x2048xi32, #tpu.memory_space<hbm>> -> memref<1x256xi32, #tpu.memory_space<hbm>>
      %dma_wait3A_684 = tpu.memref_squeeze %dma_wait3A_683 : memref<1x256xi32, #tpu.memory_space<hbm>> -> memref<256xi32, #tpu.memory_space<hbm>>
      %dma_wait3A_685 = tpu.memref_slice %arg2[%select_n3A, %mul3A_34] : memref<4x2048xi32, #tpu.memory_space<hbm>> -> memref<1x256xi32, #tpu.memory_space<hbm>>
      %dma_wait3A_686 = tpu.memref_squeeze %dma_wait3A_685 : memref<1x256xi32, #tpu.memory_space<hbm>> -> memref<256xi32, #tpu.memory_space<hbm>>
      tpu.wait_dma2 semaphore(%run_scoped3A : memref<!tpu.dma_semaphore, #tpu.memory_space<semaphore_mem>>) src(%dma_wait3A_686 : memref<256xi32, #tpu.memory_space<hbm>>) dst(%arg5 : memref<256xi32, #tpu.memory_space<vmem>>)
      tpu.yield
    }) : () -> ()
    %dma_start3A = arith.constant 0 : i32
    %dma_start3A_35 = arith.constant 0 : i32
    %dma_start3A_36 = tpu.memref_slice %arg6[%dma_start3A, %dma_start3A_35] : memref<16x1024xf32, #tpu.memory_space<vmem>> -> memref<16x1024xf32, #tpu.memory_space<vmem>>
    %dma_start3A_37 = arith.constant 0 : i32
    %dma_start3A_38 = tpu.memref_slice %arg5[%dma_start3A_37] : memref<256xi32, #tpu.memory_space<vmem>> -> memref<16xi32, #tpu.memory_space<vmem>>
    %dma_start3A_39 = arith.constant 0 : i32
    %dma_start3A_40 = arith.constant 0 : i32
    %dma_start3A_41 = tpu.memref_slice %arg3[%dma_start3A_39, %dma_start3A_40] : memref<50000x1024xf32, #tpu.memory_space<hbm>> -> memref<50000x1024xf32, #tpu.memory_space<hbm>>
    tpu.enqueue_indirect_dma source(%dma_start3A_41 : memref<50000x1024xf32, #tpu.memory_space<hbm>>) target(%dma_start3A_36 : memref<16x1024xf32, #tpu.memory_space<vmem>>) offsets(%dma_start3A_38 : memref<16xi32, #tpu.memory_space<vmem>>) semaphore(%arg12 : memref<!tpu.dma_semaphore, #tpu.memory_space<semaphore_mem>>)
    %dma_start3A_42 = arith.constant 0 : i32
    %dma_start3A_43 = arith.constant 0 : i32
    %dma_start3A_44 = tpu.memref_slice %arg7[%dma_start3A_42, %dma_start3A_43] : memref<16x1024xf32, #tpu.memory_space<vmem>> -> memref<16x1024xf32, #tpu.memory_space<vmem>>
    %dma_start3A_45 = arith.constant 16 : i32
    %dma_start3A_46 = tpu.memref_slice %arg5[%dma_start3A_45] : memref<256xi32, #tpu.memory_space<vmem>> -> memref<16xi32, #tpu.memory_space<vmem>>
    %dma_start3A_47 = arith.constant 0 : i32
    %dma_start3A_48 = arith.constant 0 : i32
    %dma_start3A_49 = tpu.memref_slice %arg3[%dma_start3A_47, %dma_start3A_48] : memref<50000x1024xf32, #tpu.memory_space<hbm>> -> memref<50000x1024xf32, #tpu.memory_space<hbm>>
    tpu.enqueue_indirect_dma source(%dma_start3A_49 : memref<50000x1024xf32, #tpu.memory_space<hbm>>) target(%dma_start3A_44 : memref<16x1024xf32, #tpu.memory_space<vmem>>) offsets(%dma_start3A_46 : memref<16xi32, #tpu.memory_space<vmem>>) semaphore(%arg13 : memref<!tpu.dma_semaphore, #tpu.memory_space<semaphore_mem>>)
    %dma_start3A_50 = arith.constant 0 : i32
    %dma_start3A_51 = arith.constant 0 : i32
    %dma_start3A_52 = tpu.memref_slice %arg8[%dma_start3A_50, %dma_start3A_51] : memref<16x1024xf32, #tpu.memory_space<vmem>> -> memref<16x1024xf32, #tpu.memory_space<vmem>>
    %dma_start3A_53 = arith.constant 32 : i32
    %dma_start3A_54 = tpu.memref_slice %arg5[%dma_start3A_53] : memref<256xi32, #tpu.memory_space<vmem>> -> memref<16xi32, #tpu.memory_space<vmem>>
    %dma_start3A_55 = arith.constant 0 : i32
    %dma_start3A_56 = arith.constant 0 : i32
    %dma_start3A_57 = tpu.memref_slice %arg3[%dma_start3A_55, %dma_start3A_56] : memref<50000x1024xf32, #tpu.memory_space<hbm>> -> memref<50000x1024xf32, #tpu.memory_space<hbm>>
    tpu.enqueue_indirect_dma source(%dma_start3A_57 : memref<50000x1024xf32, #tpu.memory_space<hbm>>) target(%dma_start3A_52 : memref<16x1024xf32, #tpu.memory_space<vmem>>) offsets(%dma_start3A_54 : memref<16xi32, #tpu.memory_space<vmem>>) semaphore(%arg14 : memref<!tpu.dma_semaphore, #tpu.memory_space<semaphore_mem>>)
    %dma_start3A_58 = arith.constant 0 : i32
    %dma_start3A_59 = arith.constant 0 : i32
    %dma_start3A_60 = tpu.memref_slice %arg9[%dma_start3A_58, %dma_start3A_59] : memref<16x1024xf32, #tpu.memory_space<vmem>> -> memref<16x1024xf32, #tpu.memory_space<vmem>>
    %dma_start3A_61 = arith.constant 48 : i32
    %dma_start3A_62 = tpu.memref_slice %arg5[%dma_start3A_61] : memref<256xi32, #tpu.memory_space<vmem>> -> memref<16xi32, #tpu.memory_space<vmem>>
    %dma_start3A_63 = arith.constant 0 : i32
    %dma_start3A_64 = arith.constant 0 : i32
    %dma_start3A_65 = tpu.memref_slice %arg3[%dma_start3A_63, %dma_start3A_64] : memref<50000x1024xf32, #tpu.memory_space<hbm>> -> memref<50000x1024xf32, #tpu.memory_space<hbm>>
    tpu.enqueue_indirect_dma source(%dma_start3A_65 : memref<50000x1024xf32, #tpu.memory_space<hbm>>) target(%dma_start3A_60 : memref<16x1024xf32, #tpu.memory_space<vmem>>) offsets(%dma_start3A_62 : memref<16xi32, #tpu.memory_space<vmem>>) semaphore(%arg15 : memref<!tpu.dma_semaphore, #tpu.memory_space<semaphore_mem>>)
    %dma_start3A_66 = arith.constant 0 : i32
    %dma_start3A_67 = arith.constant 0 : i32
    %dma_start3A_68 = tpu.memref_slice %arg10[%dma_start3A_66, %dma_start3A_67] : memref<16x1024xf32, #tpu.memory_space<vmem>> -> memref<16x1024xf32, #tpu.memory_space<vmem>>
    %dma_start3A_69 = arith.constant 64 : i32
    %dma_start3A_70 = tpu.memref_slice %arg5[%dma_start3A_69] : memref<256xi32, #tpu.memory_space<vmem>> -> memref<16xi32, #tpu.memory_space<vmem>>
    %dma_start3A_71 = arith.constant 0 : i32
    %dma_start3A_72 = arith.constant 0 : i32
    %dma_start3A_73 = tpu.memref_slice %arg3[%dma_start3A_71, %dma_start3A_72] : memref<50000x1024xf32, #tpu.memory_space<hbm>> -> memref<50000x1024xf32, #tpu.memory_space<hbm>>
    tpu.enqueue_indirect_dma source(%dma_start3A_73 : memref<50000x1024xf32, #tpu.memory_space<hbm>>) target(%dma_start3A_68 : memref<16x1024xf32, #tpu.memory_space<vmem>>) offsets(%dma_start3A_70 : memref<16xi32, #tpu.memory_space<vmem>>) semaphore(%arg16 : memref<!tpu.dma_semaphore, #tpu.memory_space<semaphore_mem>>)
    %dma_wait3A = arith.constant 0 : i32
    %dma_wait3A_74 = arith.constant 0 : i32
    %dma_wait3A_75 = tpu.memref_slice %arg6[%dma_wait3A, %dma_wait3A_74] : memref<16x1024xf32, #tpu.memory_space<vmem>> -> memref<16x1024xf32, #tpu.memory_space<vmem>>
    %dma_wait3A_76 = arith.constant 0 : i32
    %dma_wait3A_77 = tpu.memref_slice %arg5[%dma_wait3A_76] : memref<256xi32, #tpu.memory_space<vmem>> -> memref<16xi32, #tpu.memory_space<vmem>>
    %dma_wait3A_78 = arith.constant 0 : i32
    %dma_wait3A_79 = arith.constant 0 : i32
    %dma_wait3A_80 = tpu.memref_slice %arg3[%dma_wait3A_78, %dma_wait3A_79] : memref<50000x1024xf32, #tpu.memory_space<hbm>> -> memref<50000x1024xf32, #tpu.memory_space<hbm>>
    tpu.wait_indirect_dma semaphore(%arg12 : memref<!tpu.dma_semaphore, #tpu.memory_space<semaphore_mem>>) src(%dma_wait3A_80 : memref<50000x1024xf32, #tpu.memory_space<hbm>>) dst(%dma_wait3A_75 : memref<16x1024xf32, #tpu.memory_space<vmem>>)
    %add3A_81 = arith.constant 0 : i32
    %add3A_82 = arith.addi %mul3A_2, %add3A_81 : i32
    %dma_start3A_83 = arith.constant 0 : i32
    %dma_start3A_84 = arith.constant 0 : i32
    %dma_start3A_85 = tpu.memref_slice %arg6[%dma_start3A_83, %dma_start3A_84] : memref<16x1024xf32, #tpu.memory_space<vmem>> -> memref<16x1024xf32, #tpu.memory_space<vmem>>
    %dma_start3A_86 = arith.constant 0 : i32
    %dma_start3A_87 = tpu.memref_slice %arg4[%add3A_82, %dma_start3A_86] : memref<8192x1024xf32, #tpu.memory_space<hbm>> -> memref<16x1024xf32, #tpu.memory_space<hbm>>
    %dma_start3A_88 = arith.constant 0 : i32
    %dma_start3A_89 = tpu.memref_slice %arg4[%add3A_82, %dma_start3A_88] : memref<8192x1024xf32, #tpu.memory_space<hbm>> -> memref<16x1024xf32, #tpu.memory_space<hbm>>
    %dma_start3A_90 = arith.constant 0 : i32
    %dma_start3A_91 = arith.constant 0 : i32
    %dma_start3A_92 = tpu.memref_slice %arg6[%dma_start3A_90, %dma_start3A_91] : memref<16x1024xf32, #tpu.memory_space<vmem>> -> memref<16x1024xf32, #tpu.memory_space<vmem>>
    tpu.enqueue_dma source(%dma_start3A_92 : memref<16x1024xf32, #tpu.memory_space<vmem>>) target(%dma_start3A_89 : memref<16x1024xf32, #tpu.memory_space<hbm>>) target_semaphore(%arg18 : memref<!tpu.dma_semaphore, #tpu.memory_space<semaphore_mem>>)
    %dma_start3A_93 = arith.constant 0 : i32
    %dma_start3A_94 = arith.constant 0 : i32
    %dma_start3A_95 = tpu.memref_slice %arg11[%dma_start3A_93, %dma_start3A_94] : memref<16x1024xf32, #tpu.memory_space<vmem>> -> memref<16x1024xf32, #tpu.memory_space<vmem>>
    %dma_start3A_96 = arith.constant 80 : i32
    %dma_start3A_97 = tpu.memref_slice %arg5[%dma_start3A_96] : memref<256xi32, #tpu.memory_space<vmem>> -> memref<16xi32, #tpu.memory_space<vmem>>
    %dma_start3A_98 = arith.constant 0 : i32
    %dma_start3A_99 = arith.constant 0 : i32
    %dma_start3A_100 = tpu.memref_slice %arg3[%dma_start3A_98, %dma_start3A_99] : memref<50000x1024xf32, #tpu.memory_space<hbm>> -> memref<50000x1024xf32, #tpu.memory_space<hbm>>
    tpu.enqueue_indirect_dma source(%dma_start3A_100 : memref<50000x1024xf32, #tpu.memory_space<hbm>>) target(%dma_start3A_95 : memref<16x1024xf32, #tpu.memory_space<vmem>>) offsets(%dma_start3A_97 : memref<16xi32, #tpu.memory_space<vmem>>) semaphore(%arg17 : memref<!tpu.dma_semaphore, #tpu.memory_space<semaphore_mem>>)
    %dma_wait3A_101 = arith.constant 0 : i32
    %dma_wait3A_102 = arith.constant 0 : i32
    %dma_wait3A_103 = tpu.memref_slice %arg7[%dma_wait3A_101, %dma_wait3A_102] : memref<16x1024xf32, #tpu.memory_space<vmem>> -> memref<16x1024xf32, #tpu.memory_space<vmem>>
    %dma_wait3A_104 = arith.constant 16 : i32
    %dma_wait3A_105 = tpu.memref_slice %arg5[%dma_wait3A_104] : memref<256xi32, #tpu.memory_space<vmem>> -> memref<16xi32, #tpu.memory_space<vmem>>
    %dma_wait3A_106 = arith.constant 0 : i32
    %dma_wait3A_107 = arith.constant 0 : i32
    %dma_wait3A_108 = tpu.memref_slice %arg3[%dma_wait3A_106, %dma_wait3A_107] : memref<50000x1024xf32, #tpu.memory_space<hbm>> -> memref<50000x1024xf32, #tpu.memory_space<hbm>>
    tpu.wait_indirect_dma semaphore(%arg13 : memref<!tpu.dma_semaphore, #tpu.memory_space<semaphore_mem>>) src(%dma_wait3A_108 : memref<50000x1024xf32, #tpu.memory_space<hbm>>) dst(%dma_wait3A_103 : memref<16x1024xf32, #tpu.memory_space<vmem>>)
    %add3A_109 = arith.constant 16 : i32
    %add3A_110 = arith.addi %mul3A_2, %add3A_109 : i32
    %dma_start3A_111 = arith.constant 0 : i32
    %dma_start3A_112 = arith.constant 0 : i32
    %dma_start3A_113 = tpu.memref_slice %arg7[%dma_start3A_111, %dma_start3A_112] : memref<16x1024xf32, #tpu.memory_space<vmem>> -> memref<16x1024xf32, #tpu.memory_space<vmem>>
    %dma_start3A_114 = arith.constant 0 : i32
    %dma_start3A_115 = tpu.memref_slice %arg4[%add3A_110, %dma_start3A_114] : memref<8192x1024xf32, #tpu.memory_space<hbm>> -> memref<16x1024xf32, #tpu.memory_space<hbm>>
    %dma_start3A_116 = arith.constant 0 : i32
    %dma_start3A_117 = tpu.memref_slice %arg4[%add3A_110, %dma_start3A_116] : memref<8192x1024xf32, #tpu.memory_space<hbm>> -> memref<16x1024xf32, #tpu.memory_space<hbm>>
    %dma_start3A_118 = arith.constant 0 : i32
    %dma_start3A_119 = arith.constant 0 : i32
    %dma_start3A_120 = tpu.memref_slice %arg7[%dma_start3A_118, %dma_start3A_119] : memref<16x1024xf32, #tpu.memory_space<vmem>> -> memref<16x1024xf32, #tpu.memory_space<vmem>>
    tpu.enqueue_dma source(%dma_start3A_120 : memref<16x1024xf32, #tpu.memory_space<vmem>>) target(%dma_start3A_117 : memref<16x1024xf32, #tpu.memory_space<hbm>>) target_semaphore(%arg19 : memref<!tpu.dma_semaphore, #tpu.memory_space<semaphore_mem>>)
    %dma_wait3A_121 = arith.constant 0 : i32
    %dma_wait3A_122 = arith.constant 0 : i32
    %dma_wait3A_123 = tpu.memref_slice %arg6[%dma_wait3A_121, %dma_wait3A_122] : memref<16x1024xf32, #tpu.memory_space<vmem>> -> memref<16x1024xf32, #tpu.memory_space<vmem>>
    %dma_wait3A_124 = arith.constant 0 : i32
    %dma_wait3A_125 = tpu.memref_slice %arg4[%add3A_82, %dma_wait3A_124] : memref<8192x1024xf32, #tpu.memory_space<hbm>> -> memref<16x1024xf32, #tpu.memory_space<hbm>>
    %dma_wait3A_126 = arith.constant 0 : i32
    %dma_wait3A_127 = tpu.memref_slice %arg4[%add3A_82, %dma_wait3A_126] : memref<8192x1024xf32, #tpu.memory_space<hbm>> -> memref<16x1024xf32, #tpu.memory_space<hbm>>
    %dma_wait3A_128 = arith.constant 0 : i32
    %dma_wait3A_129 = arith.constant 0 : i32
    %dma_wait3A_130 = tpu.memref_slice %arg6[%dma_wait3A_128, %dma_wait3A_129] : memref<16x1024xf32, #tpu.memory_space<vmem>> -> memref<16x1024xf32, #tpu.memory_space<vmem>>
    tpu.wait_dma2 semaphore(%arg18 : memref<!tpu.dma_semaphore, #tpu.memory_space<semaphore_mem>>) src(%dma_wait3A_130 : memref<16x1024xf32, #tpu.memory_space<vmem>>) dst(%dma_wait3A_127 : memref<16x1024xf32, #tpu.memory_space<hbm>>)
    %dma_start3A_131 = arith.constant 0 : i32
    %dma_start3A_132 = arith.constant 0 : i32
    %dma_start3A_133 = tpu.memref_slice %arg6[%dma_start3A_131, %dma_start3A_132] : memref<16x1024xf32, #tpu.memory_space<vmem>> -> memref<16x1024xf32, #tpu.memory_space<vmem>>
    %dma_start3A_134 = arith.constant 96 : i32
    %dma_start3A_135 = tpu.memref_slice %arg5[%dma_start3A_134] : memref<256xi32, #tpu.memory_space<vmem>> -> memref<16xi32, #tpu.memory_space<vmem>>
    %dma_start3A_136 = arith.constant 0 : i32
    %dma_start3A_137 = arith.constant 0 : i32
    %dma_start3A_138 = tpu.memref_slice %arg3[%dma_start3A_136, %dma_start3A_137] : memref<50000x1024xf32, #tpu.memory_space<hbm>> -> memref<50000x1024xf32, #tpu.memory_space<hbm>>
    tpu.enqueue_indirect_dma source(%dma_start3A_138 : memref<50000x1024xf32, #tpu.memory_space<hbm>>) target(%dma_start3A_133 : memref<16x1024xf32, #tpu.memory_space<vmem>>) offsets(%dma_start3A_135 : memref<16xi32, #tpu.memory_space<vmem>>) semaphore(%arg12 : memref<!tpu.dma_semaphore, #tpu.memory_space<semaphore_mem>>)
    %dma_wait3A_139 = arith.constant 0 : i32
    %dma_wait3A_140 = arith.constant 0 : i32
    %dma_wait3A_141 = tpu.memref_slice %arg8[%dma_wait3A_139, %dma_wait3A_140] : memref<16x1024xf32, #tpu.memory_space<vmem>> -> memref<16x1024xf32, #tpu.memory_space<vmem>>
    %dma_wait3A_142 = arith.constant 32 : i32
    %dma_wait3A_143 = tpu.memref_slice %arg5[%dma_wait3A_142] : memref<256xi32, #tpu.memory_space<vmem>> -> memref<16xi32, #tpu.memory_space<vmem>>
    %dma_wait3A_144 = arith.constant 0 : i32
    %dma_wait3A_145 = arith.constant 0 : i32
    %dma_wait3A_146 = tpu.memref_slice %arg3[%dma_wait3A_144, %dma_wait3A_145] : memref<50000x1024xf32, #tpu.memory_space<hbm>> -> memref<50000x1024xf32, #tpu.memory_space<hbm>>
    tpu.wait_indirect_dma semaphore(%arg14 : memref<!tpu.dma_semaphore, #tpu.memory_space<semaphore_mem>>) src(%dma_wait3A_146 : memref<50000x1024xf32, #tpu.memory_space<hbm>>) dst(%dma_wait3A_141 : memref<16x1024xf32, #tpu.memory_space<vmem>>)
    %add3A_147 = arith.constant 32 : i32
    %add3A_148 = arith.addi %mul3A_2, %add3A_147 : i32
    %dma_start3A_149 = arith.constant 0 : i32
    %dma_start3A_150 = arith.constant 0 : i32
    %dma_start3A_151 = tpu.memref_slice %arg8[%dma_start3A_149, %dma_start3A_150] : memref<16x1024xf32, #tpu.memory_space<vmem>> -> memref<16x1024xf32, #tpu.memory_space<vmem>>
    %dma_start3A_152 = arith.constant 0 : i32
    %dma_start3A_153 = tpu.memref_slice %arg4[%add3A_148, %dma_start3A_152] : memref<8192x1024xf32, #tpu.memory_space<hbm>> -> memref<16x1024xf32, #tpu.memory_space<hbm>>
    %dma_start3A_154 = arith.constant 0 : i32
    %dma_start3A_155 = tpu.memref_slice %arg4[%add3A_148, %dma_start3A_154] : memref<8192x1024xf32, #tpu.memory_space<hbm>> -> memref<16x1024xf32, #tpu.memory_space<hbm>>
    %dma_start3A_156 = arith.constant 0 : i32
    %dma_start3A_157 = arith.constant 0 : i32
    %dma_start3A_158 = tpu.memref_slice %arg8[%dma_start3A_156, %dma_start3A_157] : memref<16x1024xf32, #tpu.memory_space<vmem>> -> memref<16x1024xf32, #tpu.memory_space<vmem>>
    tpu.enqueue_dma source(%dma_start3A_158 : memref<16x1024xf32, #tpu.memory_space<vmem>>) target(%dma_start3A_155 : memref<16x1024xf32, #tpu.memory_space<hbm>>) target_semaphore(%arg20 : memref<!tpu.dma_semaphore, #tpu.memory_space<semaphore_mem>>)
    %dma_wait3A_159 = arith.constant 0 : i32
    %dma_wait3A_160 = arith.constant 0 : i32
    %dma_wait3A_161 = tpu.memref_slice %arg7[%dma_wait3A_159, %dma_wait3A_160] : memref<16x1024xf32, #tpu.memory_space<vmem>> -> memref<16x1024xf32, #tpu.memory_space<vmem>>
    %dma_wait3A_162 = arith.constant 0 : i32
    %dma_wait3A_163 = tpu.memref_slice %arg4[%add3A_110, %dma_wait3A_162] : memref<8192x1024xf32, #tpu.memory_space<hbm>> -> memref<16x1024xf32, #tpu.memory_space<hbm>>
    %dma_wait3A_164 = arith.constant 0 : i32
    %dma_wait3A_165 = tpu.memref_slice %arg4[%add3A_110, %dma_wait3A_164] : memref<8192x1024xf32, #tpu.memory_space<hbm>> -> memref<16x1024xf32, #tpu.memory_space<hbm>>
    %dma_wait3A_166 = arith.constant 0 : i32
    %dma_wait3A_167 = arith.constant 0 : i32
    %dma_wait3A_168 = tpu.memref_slice %arg7[%dma_wait3A_166, %dma_wait3A_167] : memref<16x1024xf32, #tpu.memory_space<vmem>> -> memref<16x1024xf32, #tpu.memory_space<vmem>>
    tpu.wait_dma2 semaphore(%arg19 : memref<!tpu.dma_semaphore, #tpu.memory_space<semaphore_mem>>) src(%dma_wait3A_168 : memref<16x1024xf32, #tpu.memory_space<vmem>>) dst(%dma_wait3A_165 : memref<16x1024xf32, #tpu.memory_space<hbm>>)
    %dma_start3A_169 = arith.constant 0 : i32
    %dma_start3A_170 = arith.constant 0 : i32
    %dma_start3A_171 = tpu.memref_slice %arg7[%dma_start3A_169, %dma_start3A_170] : memref<16x1024xf32, #tpu.memory_space<vmem>> -> memref<16x1024xf32, #tpu.memory_space<vmem>>
    %dma_start3A_172 = arith.constant 112 : i32
    %dma_start3A_173 = tpu.memref_slice %arg5[%dma_start3A_172] : memref<256xi32, #tpu.memory_space<vmem>> -> memref<16xi32, #tpu.memory_space<vmem>>
    %dma_start3A_174 = arith.constant 0 : i32
    %dma_start3A_175 = arith.constant 0 : i32
    %dma_start3A_176 = tpu.memref_slice %arg3[%dma_start3A_174, %dma_start3A_175] : memref<50000x1024xf32, #tpu.memory_space<hbm>> -> memref<50000x1024xf32, #tpu.memory_space<hbm>>
    tpu.enqueue_indirect_dma source(%dma_start3A_176 : memref<50000x1024xf32, #tpu.memory_space<hbm>>) target(%dma_start3A_171 : memref<16x1024xf32, #tpu.memory_space<vmem>>) offsets(%dma_start3A_173 : memref<16xi32, #tpu.memory_space<vmem>>) semaphore(%arg13 : memref<!tpu.dma_semaphore, #tpu.memory_space<semaphore_mem>>)
    %dma_wait3A_177 = arith.constant 0 : i32
    %dma_wait3A_178 = arith.constant 0 : i32
    %dma_wait3A_179 = tpu.memref_slice %arg9[%dma_wait3A_177, %dma_wait3A_178] : memref<16x1024xf32, #tpu.memory_space<vmem>> -> memref<16x1024xf32, #tpu.memory_space<vmem>>
    %dma_wait3A_180 = arith.constant 48 : i32
    %dma_wait3A_181 = tpu.memref_slice %arg5[%dma_wait3A_180] : memref<256xi32, #tpu.memory_space<vmem>> -> memref<16xi32, #tpu.memory_space<vmem>>
    %dma_wait3A_182 = arith.constant 0 : i32
    %dma_wait3A_183 = arith.constant 0 : i32
    %dma_wait3A_184 = tpu.memref_slice %arg3[%dma_wait3A_182, %dma_wait3A_183] : memref<50000x1024xf32, #tpu.memory_space<hbm>> -> memref<50000x1024xf32, #tpu.memory_space<hbm>>
    tpu.wait_indirect_dma semaphore(%arg15 : memref<!tpu.dma_semaphore, #tpu.memory_space<semaphore_mem>>) src(%dma_wait3A_184 : memref<50000x1024xf32, #tpu.memory_space<hbm>>) dst(%dma_wait3A_179 : memref<16x1024xf32, #tpu.memory_space<vmem>>)
    %add3A_185 = arith.constant 48 : i32
    %add3A_186 = arith.addi %mul3A_2, %add3A_185 : i32
    %dma_start3A_187 = arith.constant 0 : i32
    %dma_start3A_188 = arith.constant 0 : i32
    %dma_start3A_189 = tpu.memref_slice %arg9[%dma_start3A_187, %dma_start3A_188] : memref<16x1024xf32, #tpu.memory_space<vmem>> -> memref<16x1024xf32, #tpu.memory_space<vmem>>
    %dma_start3A_190 = arith.constant 0 : i32
    %dma_start3A_191 = tpu.memref_slice %arg4[%add3A_186, %dma_start3A_190] : memref<8192x1024xf32, #tpu.memory_space<hbm>> -> memref<16x1024xf32, #tpu.memory_space<hbm>>
    %dma_start3A_192 = arith.constant 0 : i32
    %dma_start3A_193 = tpu.memref_slice %arg4[%add3A_186, %dma_start3A_192] : memref<8192x1024xf32, #tpu.memory_space<hbm>> -> memref<16x1024xf32, #tpu.memory_space<hbm>>
    %dma_start3A_194 = arith.constant 0 : i32
    %dma_start3A_195 = arith.constant 0 : i32
    %dma_start3A_196 = tpu.memref_slice %arg9[%dma_start3A_194, %dma_start3A_195] : memref<16x1024xf32, #tpu.memory_space<vmem>> -> memref<16x1024xf32, #tpu.memory_space<vmem>>
    tpu.enqueue_dma source(%dma_start3A_196 : memref<16x1024xf32, #tpu.memory_space<vmem>>) target(%dma_start3A_193 : memref<16x1024xf32, #tpu.memory_space<hbm>>) target_semaphore(%arg21 : memref<!tpu.dma_semaphore, #tpu.memory_space<semaphore_mem>>)
    %dma_wait3A_197 = arith.constant 0 : i32
    %dma_wait3A_198 = arith.constant 0 : i32
    %dma_wait3A_199 = tpu.memref_slice %arg8[%dma_wait3A_197, %dma_wait3A_198] : memref<16x1024xf32, #tpu.memory_space<vmem>> -> memref<16x1024xf32, #tpu.memory_space<vmem>>
    %dma_wait3A_200 = arith.constant 0 : i32
    %dma_wait3A_201 = tpu.memref_slice %arg4[%add3A_148, %dma_wait3A_200] : memref<8192x1024xf32, #tpu.memory_space<hbm>> -> memref<16x1024xf32, #tpu.memory_space<hbm>>
    %dma_wait3A_202 = arith.constant 0 : i32
    %dma_wait3A_203 = tpu.memref_slice %arg4[%add3A_148, %dma_wait3A_202] : memref<8192x1024xf32, #tpu.memory_space<hbm>> -> memref<16x1024xf32, #tpu.memory_space<hbm>>
    %dma_wait3A_204 = arith.constant 0 : i32
    %dma_wait3A_205 = arith.constant 0 : i32
    %dma_wait3A_206 = tpu.memref_slice %arg8[%dma_wait3A_204, %dma_wait3A_205] : memref<16x1024xf32, #tpu.memory_space<vmem>> -> memref<16x1024xf32, #tpu.memory_space<vmem>>
    tpu.wait_dma2 semaphore(%arg20 : memref<!tpu.dma_semaphore, #tpu.memory_space<semaphore_mem>>) src(%dma_wait3A_206 : memref<16x1024xf32, #tpu.memory_space<vmem>>) dst(%dma_wait3A_203 : memref<16x1024xf32, #tpu.memory_space<hbm>>)
    %dma_start3A_207 = arith.constant 0 : i32
    %dma_start3A_208 = arith.constant 0 : i32
    %dma_start3A_209 = tpu.memref_slice %arg8[%dma_start3A_207, %dma_start3A_208] : memref<16x1024xf32, #tpu.memory_space<vmem>> -> memref<16x1024xf32, #tpu.memory_space<vmem>>
    %dma_start3A_210 = arith.constant 128 : i32
    %dma_start3A_211 = tpu.memref_slice %arg5[%dma_start3A_210] : memref<256xi32, #tpu.memory_space<vmem>> -> memref<16xi32, #tpu.memory_space<vmem>>
    %dma_start3A_212 = arith.constant 0 : i32
    %dma_start3A_213 = arith.constant 0 : i32
    %dma_start3A_214 = tpu.memref_slice %arg3[%dma_start3A_212, %dma_start3A_213] : memref<50000x1024xf32, #tpu.memory_space<hbm>> -> memref<50000x1024xf32, #tpu.memory_space<hbm>>
    tpu.enqueue_indirect_dma source(%dma_start3A_214 : memref<50000x1024xf32, #tpu.memory_space<hbm>>) target(%dma_start3A_209 : memref<16x1024xf32, #tpu.memory_space<vmem>>) offsets(%dma_start3A_211 : memref<16xi32, #tpu.memory_space<vmem>>) semaphore(%arg14 : memref<!tpu.dma_semaphore, #tpu.memory_space<semaphore_mem>>)
    %dma_wait3A_215 = arith.constant 0 : i32
    %dma_wait3A_216 = arith.constant 0 : i32
    %dma_wait3A_217 = tpu.memref_slice %arg10[%dma_wait3A_215, %dma_wait3A_216] : memref<16x1024xf32, #tpu.memory_space<vmem>> -> memref<16x1024xf32, #tpu.memory_space<vmem>>
    %dma_wait3A_218 = arith.constant 64 : i32
    %dma_wait3A_219 = tpu.memref_slice %arg5[%dma_wait3A_218] : memref<256xi32, #tpu.memory_space<vmem>> -> memref<16xi32, #tpu.memory_space<vmem>>
    %dma_wait3A_220 = arith.constant 0 : i32
    %dma_wait3A_221 = arith.constant 0 : i32
    %dma_wait3A_222 = tpu.memref_slice %arg3[%dma_wait3A_220, %dma_wait3A_221] : memref<50000x1024xf32, #tpu.memory_space<hbm>> -> memref<50000x1024xf32, #tpu.memory_space<hbm>>
    tpu.wait_indirect_dma semaphore(%arg16 : memref<!tpu.dma_semaphore, #tpu.memory_space<semaphore_mem>>) src(%dma_wait3A_222 : memref<50000x1024xf32, #tpu.memory_space<hbm>>) dst(%dma_wait3A_217 : memref<16x1024xf32, #tpu.memory_space<vmem>>)
    %add3A_223 = arith.constant 64 : i32
    %add3A_224 = arith.addi %mul3A_2, %add3A_223 : i32
    %dma_start3A_225 = arith.constant 0 : i32
    %dma_start3A_226 = arith.constant 0 : i32
    %dma_start3A_227 = tpu.memref_slice %arg10[%dma_start3A_225, %dma_start3A_226] : memref<16x1024xf32, #tpu.memory_space<vmem>> -> memref<16x1024xf32, #tpu.memory_space<vmem>>
    %dma_start3A_228 = arith.constant 0 : i32
    %dma_start3A_229 = tpu.memref_slice %arg4[%add3A_224, %dma_start3A_228] : memref<8192x1024xf32, #tpu.memory_space<hbm>> -> memref<16x1024xf32, #tpu.memory_space<hbm>>
    %dma_start3A_230 = arith.constant 0 : i32
    %dma_start3A_231 = tpu.memref_slice %arg4[%add3A_224, %dma_start3A_230] : memref<8192x1024xf32, #tpu.memory_space<hbm>> -> memref<16x1024xf32, #tpu.memory_space<hbm>>
    %dma_start3A_232 = arith.constant 0 : i32
    %dma_start3A_233 = arith.constant 0 : i32
    %dma_start3A_234 = tpu.memref_slice %arg10[%dma_start3A_232, %dma_start3A_233] : memref<16x1024xf32, #tpu.memory_space<vmem>> -> memref<16x1024xf32, #tpu.memory_space<vmem>>
    tpu.enqueue_dma source(%dma_start3A_234 : memref<16x1024xf32, #tpu.memory_space<vmem>>) target(%dma_start3A_231 : memref<16x1024xf32, #tpu.memory_space<hbm>>) target_semaphore(%arg22 : memref<!tpu.dma_semaphore, #tpu.memory_space<semaphore_mem>>)
    %dma_wait3A_235 = arith.constant 0 : i32
    %dma_wait3A_236 = arith.constant 0 : i32
    %dma_wait3A_237 = tpu.memref_slice %arg9[%dma_wait3A_235, %dma_wait3A_236] : memref<16x1024xf32, #tpu.memory_space<vmem>> -> memref<16x1024xf32, #tpu.memory_space<vmem>>
    %dma_wait3A_238 = arith.constant 0 : i32
    %dma_wait3A_239 = tpu.memref_slice %arg4[%add3A_186, %dma_wait3A_238] : memref<8192x1024xf32, #tpu.memory_space<hbm>> -> memref<16x1024xf32, #tpu.memory_space<hbm>>
    %dma_wait3A_240 = arith.constant 0 : i32
    %dma_wait3A_241 = tpu.memref_slice %arg4[%add3A_186, %dma_wait3A_240] : memref<8192x1024xf32, #tpu.memory_space<hbm>> -> memref<16x1024xf32, #tpu.memory_space<hbm>>
    %dma_wait3A_242 = arith.constant 0 : i32
    %dma_wait3A_243 = arith.constant 0 : i32
    %dma_wait3A_244 = tpu.memref_slice %arg9[%dma_wait3A_242, %dma_wait3A_243] : memref<16x1024xf32, #tpu.memory_space<vmem>> -> memref<16x1024xf32, #tpu.memory_space<vmem>>
    tpu.wait_dma2 semaphore(%arg21 : memref<!tpu.dma_semaphore, #tpu.memory_space<semaphore_mem>>) src(%dma_wait3A_244 : memref<16x1024xf32, #tpu.memory_space<vmem>>) dst(%dma_wait3A_241 : memref<16x1024xf32, #tpu.memory_space<hbm>>)
    %dma_start3A_245 = arith.constant 0 : i32
    %dma_start3A_246 = arith.constant 0 : i32
    %dma_start3A_247 = tpu.memref_slice %arg9[%dma_start3A_245, %dma_start3A_246] : memref<16x1024xf32, #tpu.memory_space<vmem>> -> memref<16x1024xf32, #tpu.memory_space<vmem>>
    %dma_start3A_248 = arith.constant 144 : i32
    %dma_start3A_249 = tpu.memref_slice %arg5[%dma_start3A_248] : memref<256xi32, #tpu.memory_space<vmem>> -> memref<16xi32, #tpu.memory_space<vmem>>
    %dma_start3A_250 = arith.constant 0 : i32
    %dma_start3A_251 = arith.constant 0 : i32
    %dma_start3A_252 = tpu.memref_slice %arg3[%dma_start3A_250, %dma_start3A_251] : memref<50000x1024xf32, #tpu.memory_space<hbm>> -> memref<50000x1024xf32, #tpu.memory_space<hbm>>
    tpu.enqueue_indirect_dma source(%dma_start3A_252 : memref<50000x1024xf32, #tpu.memory_space<hbm>>) target(%dma_start3A_247 : memref<16x1024xf32, #tpu.memory_space<vmem>>) offsets(%dma_start3A_249 : memref<16xi32, #tpu.memory_space<vmem>>) semaphore(%arg15 : memref<!tpu.dma_semaphore, #tpu.memory_space<semaphore_mem>>)
    %dma_wait3A_253 = arith.constant 0 : i32
    %dma_wait3A_254 = arith.constant 0 : i32
    %dma_wait3A_255 = tpu.memref_slice %arg11[%dma_wait3A_253, %dma_wait3A_254] : memref<16x1024xf32, #tpu.memory_space<vmem>> -> memref<16x1024xf32, #tpu.memory_space<vmem>>
    %dma_wait3A_256 = arith.constant 80 : i32
    %dma_wait3A_257 = tpu.memref_slice %arg5[%dma_wait3A_256] : memref<256xi32, #tpu.memory_space<vmem>> -> memref<16xi32, #tpu.memory_space<vmem>>
    %dma_wait3A_258 = arith.constant 0 : i32
    %dma_wait3A_259 = arith.constant 0 : i32
    %dma_wait3A_260 = tpu.memref_slice %arg3[%dma_wait3A_258, %dma_wait3A_259] : memref<50000x1024xf32, #tpu.memory_space<hbm>> -> memref<50000x1024xf32, #tpu.memory_space<hbm>>
    tpu.wait_indirect_dma semaphore(%arg17 : memref<!tpu.dma_semaphore, #tpu.memory_space<semaphore_mem>>) src(%dma_wait3A_260 : memref<50000x1024xf32, #tpu.memory_space<hbm>>) dst(%dma_wait3A_255 : memref<16x1024xf32, #tpu.memory_space<vmem>>)
    %add3A_261 = arith.constant 80 : i32
    %add3A_262 = arith.addi %mul3A_2, %add3A_261 : i32
    %dma_start3A_263 = arith.constant 0 : i32
    %dma_start3A_264 = arith.constant 0 : i32
    %dma_start3A_265 = tpu.memref_slice %arg11[%dma_start3A_263, %dma_start3A_264] : memref<16x1024xf32, #tpu.memory_space<vmem>> -> memref<16x1024xf32, #tpu.memory_space<vmem>>
    %dma_start3A_266 = arith.constant 0 : i32
    %dma_start3A_267 = tpu.memref_slice %arg4[%add3A_262, %dma_start3A_266] : memref<8192x1024xf32, #tpu.memory_space<hbm>> -> memref<16x1024xf32, #tpu.memory_space<hbm>>
    %dma_start3A_268 = arith.constant 0 : i32
    %dma_start3A_269 = tpu.memref_slice %arg4[%add3A_262, %dma_start3A_268] : memref<8192x1024xf32, #tpu.memory_space<hbm>> -> memref<16x1024xf32, #tpu.memory_space<hbm>>
    %dma_start3A_270 = arith.constant 0 : i32
    %dma_start3A_271 = arith.constant 0 : i32
    %dma_start3A_272 = tpu.memref_slice %arg11[%dma_start3A_270, %dma_start3A_271] : memref<16x1024xf32, #tpu.memory_space<vmem>> -> memref<16x1024xf32, #tpu.memory_space<vmem>>
    tpu.enqueue_dma source(%dma_start3A_272 : memref<16x1024xf32, #tpu.memory_space<vmem>>) target(%dma_start3A_269 : memref<16x1024xf32, #tpu.memory_space<hbm>>) target_semaphore(%arg23 : memref<!tpu.dma_semaphore, #tpu.memory_space<semaphore_mem>>)
    %dma_wait3A_273 = arith.constant 0 : i32
    %dma_wait3A_274 = arith.constant 0 : i32
    %dma_wait3A_275 = tpu.memref_slice %arg10[%dma_wait3A_273, %dma_wait3A_274] : memref<16x1024xf32, #tpu.memory_space<vmem>> -> memref<16x1024xf32, #tpu.memory_space<vmem>>
    %dma_wait3A_276 = arith.constant 0 : i32
    %dma_wait3A_277 = tpu.memref_slice %arg4[%add3A_224, %dma_wait3A_276] : memref<8192x1024xf32, #tpu.memory_space<hbm>> -> memref<16x1024xf32, #tpu.memory_space<hbm>>
    %dma_wait3A_278 = arith.constant 0 : i32
    %dma_wait3A_279 = tpu.memref_slice %arg4[%add3A_224, %dma_wait3A_278] : memref<8192x1024xf32, #tpu.memory_space<hbm>> -> memref<16x1024xf32, #tpu.memory_space<hbm>>
    %dma_wait3A_280 = arith.constant 0 : i32
    %dma_wait3A_281 = arith.constant 0 : i32
    %dma_wait3A_282 = tpu.memref_slice %arg10[%dma_wait3A_280, %dma_wait3A_281] : memref<16x1024xf32, #tpu.memory_space<vmem>> -> memref<16x1024xf32, #tpu.memory_space<vmem>>
    tpu.wait_dma2 semaphore(%arg22 : memref<!tpu.dma_semaphore, #tpu.memory_space<semaphore_mem>>) src(%dma_wait3A_282 : memref<16x1024xf32, #tpu.memory_space<vmem>>) dst(%dma_wait3A_279 : memref<16x1024xf32, #tpu.memory_space<hbm>>)
    %dma_start3A_283 = arith.constant 0 : i32
    %dma_start3A_284 = arith.constant 0 : i32
    %dma_start3A_285 = tpu.memref_slice %arg10[%dma_start3A_283, %dma_start3A_284] : memref<16x1024xf32, #tpu.memory_space<vmem>> -> memref<16x1024xf32, #tpu.memory_space<vmem>>
    %dma_start3A_286 = arith.constant 160 : i32
    %dma_start3A_287 = tpu.memref_slice %arg5[%dma_start3A_286] : memref<256xi32, #tpu.memory_space<vmem>> -> memref<16xi32, #tpu.memory_space<vmem>>
    %dma_start3A_288 = arith.constant 0 : i32
    %dma_start3A_289 = arith.constant 0 : i32
    %dma_start3A_290 = tpu.memref_slice %arg3[%dma_start3A_288, %dma_start3A_289] : memref<50000x1024xf32, #tpu.memory_space<hbm>> -> memref<50000x1024xf32, #tpu.memory_space<hbm>>
    tpu.enqueue_indirect_dma source(%dma_start3A_290 : memref<50000x1024xf32, #tpu.memory_space<hbm>>) target(%dma_start3A_285 : memref<16x1024xf32, #tpu.memory_space<vmem>>) offsets(%dma_start3A_287 : memref<16xi32, #tpu.memory_space<vmem>>) semaphore(%arg16 : memref<!tpu.dma_semaphore, #tpu.memory_space<semaphore_mem>>)
    %dma_wait3A_291 = arith.constant 0 : i32
    %dma_wait3A_292 = arith.constant 0 : i32
    %dma_wait3A_293 = tpu.memref_slice %arg6[%dma_wait3A_291, %dma_wait3A_292] : memref<16x1024xf32, #tpu.memory_space<vmem>> -> memref<16x1024xf32, #tpu.memory_space<vmem>>
    %dma_wait3A_294 = arith.constant 96 : i32
    %dma_wait3A_295 = tpu.memref_slice %arg5[%dma_wait3A_294] : memref<256xi32, #tpu.memory_space<vmem>> -> memref<16xi32, #tpu.memory_space<vmem>>
    %dma_wait3A_296 = arith.constant 0 : i32
    %dma_wait3A_297 = arith.constant 0 : i32
    %dma_wait3A_298 = tpu.memref_slice %arg3[%dma_wait3A_296, %dma_wait3A_297] : memref<50000x1024xf32, #tpu.memory_space<hbm>> -> memref<50000x1024xf32, #tpu.memory_space<hbm>>
    tpu.wait_indirect_dma semaphore(%arg12 : memref<!tpu.dma_semaphore, #tpu.memory_space<semaphore_mem>>) src(%dma_wait3A_298 : memref<50000x1024xf32, #tpu.memory_space<hbm>>) dst(%dma_wait3A_293 : memref<16x1024xf32, #tpu.memory_space<vmem>>)
    %add3A_299 = arith.constant 96 : i32
    %add3A_300 = arith.addi %mul3A_2, %add3A_299 : i32
    %dma_start3A_301 = arith.constant 0 : i32
    %dma_start3A_302 = arith.constant 0 : i32
    %dma_start3A_303 = tpu.memref_slice %arg6[%dma_start3A_301, %dma_start3A_302] : memref<16x1024xf32, #tpu.memory_space<vmem>> -> memref<16x1024xf32, #tpu.memory_space<vmem>>
    %dma_start3A_304 = arith.constant 0 : i32
    %dma_start3A_305 = tpu.memref_slice %arg4[%add3A_300, %dma_start3A_304] : memref<8192x1024xf32, #tpu.memory_space<hbm>> -> memref<16x1024xf32, #tpu.memory_space<hbm>>
    %dma_start3A_306 = arith.constant 0 : i32
    %dma_start3A_307 = tpu.memref_slice %arg4[%add3A_300, %dma_start3A_306] : memref<8192x1024xf32, #tpu.memory_space<hbm>> -> memref<16x1024xf32, #tpu.memory_space<hbm>>
    %dma_start3A_308 = arith.constant 0 : i32
    %dma_start3A_309 = arith.constant 0 : i32
    %dma_start3A_310 = tpu.memref_slice %arg6[%dma_start3A_308, %dma_start3A_309] : memref<16x1024xf32, #tpu.memory_space<vmem>> -> memref<16x1024xf32, #tpu.memory_space<vmem>>
    tpu.enqueue_dma source(%dma_start3A_310 : memref<16x1024xf32, #tpu.memory_space<vmem>>) target(%dma_start3A_307 : memref<16x1024xf32, #tpu.memory_space<hbm>>) target_semaphore(%arg18 : memref<!tpu.dma_semaphore, #tpu.memory_space<semaphore_mem>>)
    %dma_wait3A_311 = arith.constant 0 : i32
    %dma_wait3A_312 = arith.constant 0 : i32
    %dma_wait3A_313 = tpu.memref_slice %arg11[%dma_wait3A_311, %dma_wait3A_312] : memref<16x1024xf32, #tpu.memory_space<vmem>> -> memref<16x1024xf32, #tpu.memory_space<vmem>>
    %dma_wait3A_314 = arith.constant 0 : i32
    %dma_wait3A_315 = tpu.memref_slice %arg4[%add3A_262, %dma_wait3A_314] : memref<8192x1024xf32, #tpu.memory_space<hbm>> -> memref<16x1024xf32, #tpu.memory_space<hbm>>
    %dma_wait3A_316 = arith.constant 0 : i32
    %dma_wait3A_317 = tpu.memref_slice %arg4[%add3A_262, %dma_wait3A_316] : memref<8192x1024xf32, #tpu.memory_space<hbm>> -> memref<16x1024xf32, #tpu.memory_space<hbm>>
    %dma_wait3A_318 = arith.constant 0 : i32
    %dma_wait3A_319 = arith.constant 0 : i32
    %dma_wait3A_320 = tpu.memref_slice %arg11[%dma_wait3A_318, %dma_wait3A_319] : memref<16x1024xf32, #tpu.memory_space<vmem>> -> memref<16x1024xf32, #tpu.memory_space<vmem>>
    tpu.wait_dma2 semaphore(%arg23 : memref<!tpu.dma_semaphore, #tpu.memory_space<semaphore_mem>>) src(%dma_wait3A_320 : memref<16x1024xf32, #tpu.memory_space<vmem>>) dst(%dma_wait3A_317 : memref<16x1024xf32, #tpu.memory_space<hbm>>)
    %dma_start3A_321 = arith.constant 0 : i32
    %dma_start3A_322 = arith.constant 0 : i32
    %dma_start3A_323 = tpu.memref_slice %arg11[%dma_start3A_321, %dma_start3A_322] : memref<16x1024xf32, #tpu.memory_space<vmem>> -> memref<16x1024xf32, #tpu.memory_space<vmem>>
    %dma_start3A_324 = arith.constant 176 : i32
    %dma_start3A_325 = tpu.memref_slice %arg5[%dma_start3A_324] : memref<256xi32, #tpu.memory_space<vmem>> -> memref<16xi32, #tpu.memory_space<vmem>>
    %dma_start3A_326 = arith.constant 0 : i32
    %dma_start3A_327 = arith.constant 0 : i32
    %dma_start3A_328 = tpu.memref_slice %arg3[%dma_start3A_326, %dma_start3A_327] : memref<50000x1024xf32, #tpu.memory_space<hbm>> -> memref<50000x1024xf32, #tpu.memory_space<hbm>>
    tpu.enqueue_indirect_dma source(%dma_start3A_328 : memref<50000x1024xf32, #tpu.memory_space<hbm>>) target(%dma_start3A_323 : memref<16x1024xf32, #tpu.memory_space<vmem>>) offsets(%dma_start3A_325 : memref<16xi32, #tpu.memory_space<vmem>>) semaphore(%arg17 : memref<!tpu.dma_semaphore, #tpu.memory_space<semaphore_mem>>)
    %dma_wait3A_329 = arith.constant 0 : i32
    %dma_wait3A_330 = arith.constant 0 : i32
    %dma_wait3A_331 = tpu.memref_slice %arg7[%dma_wait3A_329, %dma_wait3A_330] : memref<16x1024xf32, #tpu.memory_space<vmem>> -> memref<16x1024xf32, #tpu.memory_space<vmem>>
    %dma_wait3A_332 = arith.constant 112 : i32
    %dma_wait3A_333 = tpu.memref_slice %arg5[%dma_wait3A_332] : memref<256xi32, #tpu.memory_space<vmem>> -> memref<16xi32, #tpu.memory_space<vmem>>
    %dma_wait3A_334 = arith.constant 0 : i32
    %dma_wait3A_335 = arith.constant 0 : i32
    %dma_wait3A_336 = tpu.memref_slice %arg3[%dma_wait3A_334, %dma_wait3A_335] : memref<50000x1024xf32, #tpu.memory_space<hbm>> -> memref<50000x1024xf32, #tpu.memory_space<hbm>>
    tpu.wait_indirect_dma semaphore(%arg13 : memref<!tpu.dma_semaphore, #tpu.memory_space<semaphore_mem>>) src(%dma_wait3A_336 : memref<50000x1024xf32, #tpu.memory_space<hbm>>) dst(%dma_wait3A_331 : memref<16x1024xf32, #tpu.memory_space<vmem>>)
    %add3A_337 = arith.constant 112 : i32
    %add3A_338 = arith.addi %mul3A_2, %add3A_337 : i32
    %dma_start3A_339 = arith.constant 0 : i32
    %dma_start3A_340 = arith.constant 0 : i32
    %dma_start3A_341 = tpu.memref_slice %arg7[%dma_start3A_339, %dma_start3A_340] : memref<16x1024xf32, #tpu.memory_space<vmem>> -> memref<16x1024xf32, #tpu.memory_space<vmem>>
    %dma_start3A_342 = arith.constant 0 : i32
    %dma_start3A_343 = tpu.memref_slice %arg4[%add3A_338, %dma_start3A_342] : memref<8192x1024xf32, #tpu.memory_space<hbm>> -> memref<16x1024xf32, #tpu.memory_space<hbm>>
    %dma_start3A_344 = arith.constant 0 : i32
    %dma_start3A_345 = tpu.memref_slice %arg4[%add3A_338, %dma_start3A_344] : memref<8192x1024xf32, #tpu.memory_space<hbm>> -> memref<16x1024xf32, #tpu.memory_space<hbm>>
    %dma_start3A_346 = arith.constant 0 : i32
    %dma_start3A_347 = arith.constant 0 : i32
    %dma_start3A_348 = tpu.memref_slice %arg7[%dma_start3A_346, %dma_start3A_347] : memref<16x1024xf32, #tpu.memory_space<vmem>> -> memref<16x1024xf32, #tpu.memory_space<vmem>>
    tpu.enqueue_dma source(%dma_start3A_348 : memref<16x1024xf32, #tpu.memory_space<vmem>>) target(%dma_start3A_345 : memref<16x1024xf32, #tpu.memory_space<hbm>>) target_semaphore(%arg19 : memref<!tpu.dma_semaphore, #tpu.memory_space<semaphore_mem>>)
    %dma_wait3A_349 = arith.constant 0 : i32
    %dma_wait3A_350 = arith.constant 0 : i32
    %dma_wait3A_351 = tpu.memref_slice %arg6[%dma_wait3A_349, %dma_wait3A_350] : memref<16x1024xf32, #tpu.memory_space<vmem>> -> memref<16x1024xf32, #tpu.memory_space<vmem>>
    %dma_wait3A_352 = arith.constant 0 : i32
    %dma_wait3A_353 = tpu.memref_slice %arg4[%add3A_300, %dma_wait3A_352] : memref<8192x1024xf32, #tpu.memory_space<hbm>> -> memref<16x1024xf32, #tpu.memory_space<hbm>>
    %dma_wait3A_354 = arith.constant 0 : i32
    %dma_wait3A_355 = tpu.memref_slice %arg4[%add3A_300, %dma_wait3A_354] : memref<8192x1024xf32, #tpu.memory_space<hbm>> -> memref<16x1024xf32, #tpu.memory_space<hbm>>
    %dma_wait3A_356 = arith.constant 0 : i32
    %dma_wait3A_357 = arith.constant 0 : i32
    %dma_wait3A_358 = tpu.memref_slice %arg6[%dma_wait3A_356, %dma_wait3A_357] : memref<16x1024xf32, #tpu.memory_space<vmem>> -> memref<16x1024xf32, #tpu.memory_space<vmem>>
    tpu.wait_dma2 semaphore(%arg18 : memref<!tpu.dma_semaphore, #tpu.memory_space<semaphore_mem>>) src(%dma_wait3A_358 : memref<16x1024xf32, #tpu.memory_space<vmem>>) dst(%dma_wait3A_355 : memref<16x1024xf32, #tpu.memory_space<hbm>>)
    %dma_start3A_359 = arith.constant 0 : i32
    %dma_start3A_360 = arith.constant 0 : i32
    %dma_start3A_361 = tpu.memref_slice %arg6[%dma_start3A_359, %dma_start3A_360] : memref<16x1024xf32, #tpu.memory_space<vmem>> -> memref<16x1024xf32, #tpu.memory_space<vmem>>
    %dma_start3A_362 = arith.constant 192 : i32
    %dma_start3A_363 = tpu.memref_slice %arg5[%dma_start3A_362] : memref<256xi32, #tpu.memory_space<vmem>> -> memref<16xi32, #tpu.memory_space<vmem>>
    %dma_start3A_364 = arith.constant 0 : i32
    %dma_start3A_365 = arith.constant 0 : i32
    %dma_start3A_366 = tpu.memref_slice %arg3[%dma_start3A_364, %dma_start3A_365] : memref<50000x1024xf32, #tpu.memory_space<hbm>> -> memref<50000x1024xf32, #tpu.memory_space<hbm>>
    tpu.enqueue_indirect_dma source(%dma_start3A_366 : memref<50000x1024xf32, #tpu.memory_space<hbm>>) target(%dma_start3A_361 : memref<16x1024xf32, #tpu.memory_space<vmem>>) offsets(%dma_start3A_363 : memref<16xi32, #tpu.memory_space<vmem>>) semaphore(%arg12 : memref<!tpu.dma_semaphore, #tpu.memory_space<semaphore_mem>>)
    %dma_wait3A_367 = arith.constant 0 : i32
    %dma_wait3A_368 = arith.constant 0 : i32
    %dma_wait3A_369 = tpu.memref_slice %arg8[%dma_wait3A_367, %dma_wait3A_368] : memref<16x1024xf32, #tpu.memory_space<vmem>> -> memref<16x1024xf32, #tpu.memory_space<vmem>>
    %dma_wait3A_370 = arith.constant 128 : i32
    %dma_wait3A_371 = tpu.memref_slice %arg5[%dma_wait3A_370] : memref<256xi32, #tpu.memory_space<vmem>> -> memref<16xi32, #tpu.memory_space<vmem>>
    %dma_wait3A_372 = arith.constant 0 : i32
    %dma_wait3A_373 = arith.constant 0 : i32
    %dma_wait3A_374 = tpu.memref_slice %arg3[%dma_wait3A_372, %dma_wait3A_373] : memref<50000x1024xf32, #tpu.memory_space<hbm>> -> memref<50000x1024xf32, #tpu.memory_space<hbm>>
    tpu.wait_indirect_dma semaphore(%arg14 : memref<!tpu.dma_semaphore, #tpu.memory_space<semaphore_mem>>) src(%dma_wait3A_374 : memref<50000x1024xf32, #tpu.memory_space<hbm>>) dst(%dma_wait3A_369 : memref<16x1024xf32, #tpu.memory_space<vmem>>)
    %add3A_375 = arith.constant 128 : i32
    %add3A_376 = arith.addi %mul3A_2, %add3A_375 : i32
    %dma_start3A_377 = arith.constant 0 : i32
    %dma_start3A_378 = arith.constant 0 : i32
    %dma_start3A_379 = tpu.memref_slice %arg8[%dma_start3A_377, %dma_start3A_378] : memref<16x1024xf32, #tpu.memory_space<vmem>> -> memref<16x1024xf32, #tpu.memory_space<vmem>>
    %dma_start3A_380 = arith.constant 0 : i32
    %dma_start3A_381 = tpu.memref_slice %arg4[%add3A_376, %dma_start3A_380] : memref<8192x1024xf32, #tpu.memory_space<hbm>> -> memref<16x1024xf32, #tpu.memory_space<hbm>>
    %dma_start3A_382 = arith.constant 0 : i32
    %dma_start3A_383 = tpu.memref_slice %arg4[%add3A_376, %dma_start3A_382] : memref<8192x1024xf32, #tpu.memory_space<hbm>> -> memref<16x1024xf32, #tpu.memory_space<hbm>>
    %dma_start3A_384 = arith.constant 0 : i32
    %dma_start3A_385 = arith.constant 0 : i32
    %dma_start3A_386 = tpu.memref_slice %arg8[%dma_start3A_384, %dma_start3A_385] : memref<16x1024xf32, #tpu.memory_space<vmem>> -> memref<16x1024xf32, #tpu.memory_space<vmem>>
    tpu.enqueue_dma source(%dma_start3A_386 : memref<16x1024xf32, #tpu.memory_space<vmem>>) target(%dma_start3A_383 : memref<16x1024xf32, #tpu.memory_space<hbm>>) target_semaphore(%arg20 : memref<!tpu.dma_semaphore, #tpu.memory_space<semaphore_mem>>)
    %dma_wait3A_387 = arith.constant 0 : i32
    %dma_wait3A_388 = arith.constant 0 : i32
    %dma_wait3A_389 = tpu.memref_slice %arg7[%dma_wait3A_387, %dma_wait3A_388] : memref<16x1024xf32, #tpu.memory_space<vmem>> -> memref<16x1024xf32, #tpu.memory_space<vmem>>
    %dma_wait3A_390 = arith.constant 0 : i32
    %dma_wait3A_391 = tpu.memref_slice %arg4[%add3A_338, %dma_wait3A_390] : memref<8192x1024xf32, #tpu.memory_space<hbm>> -> memref<16x1024xf32, #tpu.memory_space<hbm>>
    %dma_wait3A_392 = arith.constant 0 : i32
    %dma_wait3A_393 = tpu.memref_slice %arg4[%add3A_338, %dma_wait3A_392] : memref<8192x1024xf32, #tpu.memory_space<hbm>> -> memref<16x1024xf32, #tpu.memory_space<hbm>>
    %dma_wait3A_394 = arith.constant 0 : i32
    %dma_wait3A_395 = arith.constant 0 : i32
    %dma_wait3A_396 = tpu.memref_slice %arg7[%dma_wait3A_394, %dma_wait3A_395] : memref<16x1024xf32, #tpu.memory_space<vmem>> -> memref<16x1024xf32, #tpu.memory_space<vmem>>
    tpu.wait_dma2 semaphore(%arg19 : memref<!tpu.dma_semaphore, #tpu.memory_space<semaphore_mem>>) src(%dma_wait3A_396 : memref<16x1024xf32, #tpu.memory_space<vmem>>) dst(%dma_wait3A_393 : memref<16x1024xf32, #tpu.memory_space<hbm>>)
    %dma_start3A_397 = arith.constant 0 : i32
    %dma_start3A_398 = arith.constant 0 : i32
    %dma_start3A_399 = tpu.memref_slice %arg7[%dma_start3A_397, %dma_start3A_398] : memref<16x1024xf32, #tpu.memory_space<vmem>> -> memref<16x1024xf32, #tpu.memory_space<vmem>>
    %dma_start3A_400 = arith.constant 208 : i32
    %dma_start3A_401 = tpu.memref_slice %arg5[%dma_start3A_400] : memref<256xi32, #tpu.memory_space<vmem>> -> memref<16xi32, #tpu.memory_space<vmem>>
    %dma_start3A_402 = arith.constant 0 : i32
    %dma_start3A_403 = arith.constant 0 : i32
    %dma_start3A_404 = tpu.memref_slice %arg3[%dma_start3A_402, %dma_start3A_403] : memref<50000x1024xf32, #tpu.memory_space<hbm>> -> memref<50000x1024xf32, #tpu.memory_space<hbm>>
    tpu.enqueue_indirect_dma source(%dma_start3A_404 : memref<50000x1024xf32, #tpu.memory_space<hbm>>) target(%dma_start3A_399 : memref<16x1024xf32, #tpu.memory_space<vmem>>) offsets(%dma_start3A_401 : memref<16xi32, #tpu.memory_space<vmem>>) semaphore(%arg13 : memref<!tpu.dma_semaphore, #tpu.memory_space<semaphore_mem>>)
    %dma_wait3A_405 = arith.constant 0 : i32
    %dma_wait3A_406 = arith.constant 0 : i32
    %dma_wait3A_407 = tpu.memref_slice %arg9[%dma_wait3A_405, %dma_wait3A_406] : memref<16x1024xf32, #tpu.memory_space<vmem>> -> memref<16x1024xf32, #tpu.memory_space<vmem>>
    %dma_wait3A_408 = arith.constant 144 : i32
    %dma_wait3A_409 = tpu.memref_slice %arg5[%dma_wait3A_408] : memref<256xi32, #tpu.memory_space<vmem>> -> memref<16xi32, #tpu.memory_space<vmem>>
    %dma_wait3A_410 = arith.constant 0 : i32
    %dma_wait3A_411 = arith.constant 0 : i32
    %dma_wait3A_412 = tpu.memref_slice %arg3[%dma_wait3A_410, %dma_wait3A_411] : memref<50000x1024xf32, #tpu.memory_space<hbm>> -> memref<50000x1024xf32, #tpu.memory_space<hbm>>
    tpu.wait_indirect_dma semaphore(%arg15 : memref<!tpu.dma_semaphore, #tpu.memory_space<semaphore_mem>>) src(%dma_wait3A_412 : memref<50000x1024xf32, #tpu.memory_space<hbm>>) dst(%dma_wait3A_407 : memref<16x1024xf32, #tpu.memory_space<vmem>>)
    %add3A_413 = arith.constant 144 : i32
    %add3A_414 = arith.addi %mul3A_2, %add3A_413 : i32
    %dma_start3A_415 = arith.constant 0 : i32
    %dma_start3A_416 = arith.constant 0 : i32
    %dma_start3A_417 = tpu.memref_slice %arg9[%dma_start3A_415, %dma_start3A_416] : memref<16x1024xf32, #tpu.memory_space<vmem>> -> memref<16x1024xf32, #tpu.memory_space<vmem>>
    %dma_start3A_418 = arith.constant 0 : i32
    %dma_start3A_419 = tpu.memref_slice %arg4[%add3A_414, %dma_start3A_418] : memref<8192x1024xf32, #tpu.memory_space<hbm>> -> memref<16x1024xf32, #tpu.memory_space<hbm>>
    %dma_start3A_420 = arith.constant 0 : i32
    %dma_start3A_421 = tpu.memref_slice %arg4[%add3A_414, %dma_start3A_420] : memref<8192x1024xf32, #tpu.memory_space<hbm>> -> memref<16x1024xf32, #tpu.memory_space<hbm>>
    %dma_start3A_422 = arith.constant 0 : i32
    %dma_start3A_423 = arith.constant 0 : i32
    %dma_start3A_424 = tpu.memref_slice %arg9[%dma_start3A_422, %dma_start3A_423] : memref<16x1024xf32, #tpu.memory_space<vmem>> -> memref<16x1024xf32, #tpu.memory_space<vmem>>
    tpu.enqueue_dma source(%dma_start3A_424 : memref<16x1024xf32, #tpu.memory_space<vmem>>) target(%dma_start3A_421 : memref<16x1024xf32, #tpu.memory_space<hbm>>) target_semaphore(%arg21 : memref<!tpu.dma_semaphore, #tpu.memory_space<semaphore_mem>>)
    %dma_wait3A_425 = arith.constant 0 : i32
    %dma_wait3A_426 = arith.constant 0 : i32
    %dma_wait3A_427 = tpu.memref_slice %arg8[%dma_wait3A_425, %dma_wait3A_426] : memref<16x1024xf32, #tpu.memory_space<vmem>> -> memref<16x1024xf32, #tpu.memory_space<vmem>>
    %dma_wait3A_428 = arith.constant 0 : i32
    %dma_wait3A_429 = tpu.memref_slice %arg4[%add3A_376, %dma_wait3A_428] : memref<8192x1024xf32, #tpu.memory_space<hbm>> -> memref<16x1024xf32, #tpu.memory_space<hbm>>
    %dma_wait3A_430 = arith.constant 0 : i32
    %dma_wait3A_431 = tpu.memref_slice %arg4[%add3A_376, %dma_wait3A_430] : memref<8192x1024xf32, #tpu.memory_space<hbm>> -> memref<16x1024xf32, #tpu.memory_space<hbm>>
    %dma_wait3A_432 = arith.constant 0 : i32
    %dma_wait3A_433 = arith.constant 0 : i32
    %dma_wait3A_434 = tpu.memref_slice %arg8[%dma_wait3A_432, %dma_wait3A_433] : memref<16x1024xf32, #tpu.memory_space<vmem>> -> memref<16x1024xf32, #tpu.memory_space<vmem>>
    tpu.wait_dma2 semaphore(%arg20 : memref<!tpu.dma_semaphore, #tpu.memory_space<semaphore_mem>>) src(%dma_wait3A_434 : memref<16x1024xf32, #tpu.memory_space<vmem>>) dst(%dma_wait3A_431 : memref<16x1024xf32, #tpu.memory_space<hbm>>)
    %dma_start3A_435 = arith.constant 0 : i32
    %dma_start3A_436 = arith.constant 0 : i32
    %dma_start3A_437 = tpu.memref_slice %arg8[%dma_start3A_435, %dma_start3A_436] : memref<16x1024xf32, #tpu.memory_space<vmem>> -> memref<16x1024xf32, #tpu.memory_space<vmem>>
    %dma_start3A_438 = arith.constant 224 : i32
    %dma_start3A_439 = tpu.memref_slice %arg5[%dma_start3A_438] : memref<256xi32, #tpu.memory_space<vmem>> -> memref<16xi32, #tpu.memory_space<vmem>>
    %dma_start3A_440 = arith.constant 0 : i32
    %dma_start3A_441 = arith.constant 0 : i32
    %dma_start3A_442 = tpu.memref_slice %arg3[%dma_start3A_440, %dma_start3A_441] : memref<50000x1024xf32, #tpu.memory_space<hbm>> -> memref<50000x1024xf32, #tpu.memory_space<hbm>>
    tpu.enqueue_indirect_dma source(%dma_start3A_442 : memref<50000x1024xf32, #tpu.memory_space<hbm>>) target(%dma_start3A_437 : memref<16x1024xf32, #tpu.memory_space<vmem>>) offsets(%dma_start3A_439 : memref<16xi32, #tpu.memory_space<vmem>>) semaphore(%arg14 : memref<!tpu.dma_semaphore, #tpu.memory_space<semaphore_mem>>)
    %dma_wait3A_443 = arith.constant 0 : i32
    %dma_wait3A_444 = arith.constant 0 : i32
    %dma_wait3A_445 = tpu.memref_slice %arg10[%dma_wait3A_443, %dma_wait3A_444] : memref<16x1024xf32, #tpu.memory_space<vmem>> -> memref<16x1024xf32, #tpu.memory_space<vmem>>
    %dma_wait3A_446 = arith.constant 160 : i32
    %dma_wait3A_447 = tpu.memref_slice %arg5[%dma_wait3A_446] : memref<256xi32, #tpu.memory_space<vmem>> -> memref<16xi32, #tpu.memory_space<vmem>>
    %dma_wait3A_448 = arith.constant 0 : i32
    %dma_wait3A_449 = arith.constant 0 : i32
    %dma_wait3A_450 = tpu.memref_slice %arg3[%dma_wait3A_448, %dma_wait3A_449] : memref<50000x1024xf32, #tpu.memory_space<hbm>> -> memref<50000x1024xf32, #tpu.memory_space<hbm>>
    tpu.wait_indirect_dma semaphore(%arg16 : memref<!tpu.dma_semaphore, #tpu.memory_space<semaphore_mem>>) src(%dma_wait3A_450 : memref<50000x1024xf32, #tpu.memory_space<hbm>>) dst(%dma_wait3A_445 : memref<16x1024xf32, #tpu.memory_space<vmem>>)
    %add3A_451 = arith.constant 160 : i32
    %add3A_452 = arith.addi %mul3A_2, %add3A_451 : i32
    %dma_start3A_453 = arith.constant 0 : i32
    %dma_start3A_454 = arith.constant 0 : i32
    %dma_start3A_455 = tpu.memref_slice %arg10[%dma_start3A_453, %dma_start3A_454] : memref<16x1024xf32, #tpu.memory_space<vmem>> -> memref<16x1024xf32, #tpu.memory_space<vmem>>
    %dma_start3A_456 = arith.constant 0 : i32
    %dma_start3A_457 = tpu.memref_slice %arg4[%add3A_452, %dma_start3A_456] : memref<8192x1024xf32, #tpu.memory_space<hbm>> -> memref<16x1024xf32, #tpu.memory_space<hbm>>
    %dma_start3A_458 = arith.constant 0 : i32
    %dma_start3A_459 = tpu.memref_slice %arg4[%add3A_452, %dma_start3A_458] : memref<8192x1024xf32, #tpu.memory_space<hbm>> -> memref<16x1024xf32, #tpu.memory_space<hbm>>
    %dma_start3A_460 = arith.constant 0 : i32
    %dma_start3A_461 = arith.constant 0 : i32
    %dma_start3A_462 = tpu.memref_slice %arg10[%dma_start3A_460, %dma_start3A_461] : memref<16x1024xf32, #tpu.memory_space<vmem>> -> memref<16x1024xf32, #tpu.memory_space<vmem>>
    tpu.enqueue_dma source(%dma_start3A_462 : memref<16x1024xf32, #tpu.memory_space<vmem>>) target(%dma_start3A_459 : memref<16x1024xf32, #tpu.memory_space<hbm>>) target_semaphore(%arg22 : memref<!tpu.dma_semaphore, #tpu.memory_space<semaphore_mem>>)
    %dma_wait3A_463 = arith.constant 0 : i32
    %dma_wait3A_464 = arith.constant 0 : i32
    %dma_wait3A_465 = tpu.memref_slice %arg9[%dma_wait3A_463, %dma_wait3A_464] : memref<16x1024xf32, #tpu.memory_space<vmem>> -> memref<16x1024xf32, #tpu.memory_space<vmem>>
    %dma_wait3A_466 = arith.constant 0 : i32
    %dma_wait3A_467 = tpu.memref_slice %arg4[%add3A_414, %dma_wait3A_466] : memref<8192x1024xf32, #tpu.memory_space<hbm>> -> memref<16x1024xf32, #tpu.memory_space<hbm>>
    %dma_wait3A_468 = arith.constant 0 : i32
    %dma_wait3A_469 = tpu.memref_slice %arg4[%add3A_414, %dma_wait3A_468] : memref<8192x1024xf32, #tpu.memory_space<hbm>> -> memref<16x1024xf32, #tpu.memory_space<hbm>>
    %dma_wait3A_470 = arith.constant 0 : i32
    %dma_wait3A_471 = arith.constant 0 : i32
    %dma_wait3A_472 = tpu.memref_slice %arg9[%dma_wait3A_470, %dma_wait3A_471] : memref<16x1024xf32, #tpu.memory_space<vmem>> -> memref<16x1024xf32, #tpu.memory_space<vmem>>
    tpu.wait_dma2 semaphore(%arg21 : memref<!tpu.dma_semaphore, #tpu.memory_space<semaphore_mem>>) src(%dma_wait3A_472 : memref<16x1024xf32, #tpu.memory_space<vmem>>) dst(%dma_wait3A_469 : memref<16x1024xf32, #tpu.memory_space<hbm>>)
    %dma_start3A_473 = arith.constant 0 : i32
    %dma_start3A_474 = arith.constant 0 : i32
    %dma_start3A_475 = tpu.memref_slice %arg9[%dma_start3A_473, %dma_start3A_474] : memref<16x1024xf32, #tpu.memory_space<vmem>> -> memref<8x1024xf32, #tpu.memory_space<vmem>>
    %dma_start3A_476 = arith.constant 240 : i32
    %dma_start3A_477 = tpu.memref_slice %arg5[%dma_start3A_476] : memref<256xi32, #tpu.memory_space<vmem>> -> memref<8xi32, #tpu.memory_space<vmem>>
    %dma_start3A_478 = arith.constant 0 : i32
    %dma_start3A_479 = arith.constant 0 : i32
    %dma_start3A_480 = tpu.memref_slice %arg3[%dma_start3A_478, %dma_start3A_479] : memref<50000x1024xf32, #tpu.memory_space<hbm>> -> memref<50000x1024xf32, #tpu.memory_space<hbm>>
    tpu.enqueue_indirect_dma source(%dma_start3A_480 : memref<50000x1024xf32, #tpu.memory_space<hbm>>) target(%dma_start3A_475 : memref<8x1024xf32, #tpu.memory_space<vmem>>) offsets(%dma_start3A_477 : memref<8xi32, #tpu.memory_space<vmem>>) semaphore(%arg15 : memref<!tpu.dma_semaphore, #tpu.memory_space<semaphore_mem>>)
    %dma_wait3A_481 = arith.constant 0 : i32
    %dma_wait3A_482 = arith.constant 0 : i32
    %dma_wait3A_483 = tpu.memref_slice %arg11[%dma_wait3A_481, %dma_wait3A_482] : memref<16x1024xf32, #tpu.memory_space<vmem>> -> memref<16x1024xf32, #tpu.memory_space<vmem>>
    %dma_wait3A_484 = arith.constant 176 : i32
    %dma_wait3A_485 = tpu.memref_slice %arg5[%dma_wait3A_484] : memref<256xi32, #tpu.memory_space<vmem>> -> memref<16xi32, #tpu.memory_space<vmem>>
    %dma_wait3A_486 = arith.constant 0 : i32
    %dma_wait3A_487 = arith.constant 0 : i32
    %dma_wait3A_488 = tpu.memref_slice %arg3[%dma_wait3A_486, %dma_wait3A_487] : memref<50000x1024xf32, #tpu.memory_space<hbm>> -> memref<50000x1024xf32, #tpu.memory_space<hbm>>
    tpu.wait_indirect_dma semaphore(%arg17 : memref<!tpu.dma_semaphore, #tpu.memory_space<semaphore_mem>>) src(%dma_wait3A_488 : memref<50000x1024xf32, #tpu.memory_space<hbm>>) dst(%dma_wait3A_483 : memref<16x1024xf32, #tpu.memory_space<vmem>>)
    %add3A_489 = arith.constant 176 : i32
    %add3A_490 = arith.addi %mul3A_2, %add3A_489 : i32
    %dma_start3A_491 = arith.constant 0 : i32
    %dma_start3A_492 = arith.constant 0 : i32
    %dma_start3A_493 = tpu.memref_slice %arg11[%dma_start3A_491, %dma_start3A_492] : memref<16x1024xf32, #tpu.memory_space<vmem>> -> memref<16x1024xf32, #tpu.memory_space<vmem>>
    %dma_start3A_494 = arith.constant 0 : i32
    %dma_start3A_495 = tpu.memref_slice %arg4[%add3A_490, %dma_start3A_494] : memref<8192x1024xf32, #tpu.memory_space<hbm>> -> memref<16x1024xf32, #tpu.memory_space<hbm>>
    %dma_start3A_496 = arith.constant 0 : i32
    %dma_start3A_497 = tpu.memref_slice %arg4[%add3A_490, %dma_start3A_496] : memref<8192x1024xf32, #tpu.memory_space<hbm>> -> memref<16x1024xf32, #tpu.memory_space<hbm>>
    %dma_start3A_498 = arith.constant 0 : i32
    %dma_start3A_499 = arith.constant 0 : i32
    %dma_start3A_500 = tpu.memref_slice %arg11[%dma_start3A_498, %dma_start3A_499] : memref<16x1024xf32, #tpu.memory_space<vmem>> -> memref<16x1024xf32, #tpu.memory_space<vmem>>
    tpu.enqueue_dma source(%dma_start3A_500 : memref<16x1024xf32, #tpu.memory_space<vmem>>) target(%dma_start3A_497 : memref<16x1024xf32, #tpu.memory_space<hbm>>) target_semaphore(%arg23 : memref<!tpu.dma_semaphore, #tpu.memory_space<semaphore_mem>>)
    %dma_wait3A_501 = arith.constant 0 : i32
    %dma_wait3A_502 = arith.constant 0 : i32
    %dma_wait3A_503 = tpu.memref_slice %arg10[%dma_wait3A_501, %dma_wait3A_502] : memref<16x1024xf32, #tpu.memory_space<vmem>> -> memref<16x1024xf32, #tpu.memory_space<vmem>>
    %dma_wait3A_504 = arith.constant 0 : i32
    %dma_wait3A_505 = tpu.memref_slice %arg4[%add3A_452, %dma_wait3A_504] : memref<8192x1024xf32, #tpu.memory_space<hbm>> -> memref<16x1024xf32, #tpu.memory_space<hbm>>
    %dma_wait3A_506 = arith.constant 0 : i32
    %dma_wait3A_507 = tpu.memref_slice %arg4[%add3A_452, %dma_wait3A_506] : memref<8192x1024xf32, #tpu.memory_space<hbm>> -> memref<16x1024xf32, #tpu.memory_space<hbm>>
    %dma_wait3A_508 = arith.constant 0 : i32
    %dma_wait3A_509 = arith.constant 0 : i32
    %dma_wait3A_510 = tpu.memref_slice %arg10[%dma_wait3A_508, %dma_wait3A_509] : memref<16x1024xf32, #tpu.memory_space<vmem>> -> memref<16x1024xf32, #tpu.memory_space<vmem>>
    tpu.wait_dma2 semaphore(%arg22 : memref<!tpu.dma_semaphore, #tpu.memory_space<semaphore_mem>>) src(%dma_wait3A_510 : memref<16x1024xf32, #tpu.memory_space<vmem>>) dst(%dma_wait3A_507 : memref<16x1024xf32, #tpu.memory_space<hbm>>)
    %dma_start3A_511 = arith.constant 0 : i32
    %dma_start3A_512 = arith.constant 0 : i32
    %dma_start3A_513 = tpu.memref_slice %arg10[%dma_start3A_511, %dma_start3A_512] : memref<16x1024xf32, #tpu.memory_space<vmem>> -> memref<8x1024xf32, #tpu.memory_space<vmem>>
    %dma_start3A_514 = arith.constant 248 : i32
    %dma_start3A_515 = tpu.memref_slice %arg5[%dma_start3A_514] : memref<256xi32, #tpu.memory_space<vmem>> -> memref<8xi32, #tpu.memory_space<vmem>>
    %dma_start3A_516 = arith.constant 0 : i32
    %dma_start3A_517 = arith.constant 0 : i32
    %dma_start3A_518 = tpu.memref_slice %arg3[%dma_start3A_516, %dma_start3A_517] : memref<50000x1024xf32, #tpu.memory_space<hbm>> -> memref<50000x1024xf32, #tpu.memory_space<hbm>>
    tpu.enqueue_indirect_dma source(%dma_start3A_518 : memref<50000x1024xf32, #tpu.memory_space<hbm>>) target(%dma_start3A_513 : memref<8x1024xf32, #tpu.memory_space<vmem>>) offsets(%dma_start3A_515 : memref<8xi32, #tpu.memory_space<vmem>>) semaphore(%arg16 : memref<!tpu.dma_semaphore, #tpu.memory_space<semaphore_mem>>)
    %dma_wait3A_519 = arith.constant 0 : i32
    %dma_wait3A_520 = arith.constant 0 : i32
    %dma_wait3A_521 = tpu.memref_slice %arg6[%dma_wait3A_519, %dma_wait3A_520] : memref<16x1024xf32, #tpu.memory_space<vmem>> -> memref<16x1024xf32, #tpu.memory_space<vmem>>
    %dma_wait3A_522 = arith.constant 192 : i32
    %dma_wait3A_523 = tpu.memref_slice %arg5[%dma_wait3A_522] : memref<256xi32, #tpu.memory_space<vmem>> -> memref<16xi32, #tpu.memory_space<vmem>>
    %dma_wait3A_524 = arith.constant 0 : i32
    %dma_wait3A_525 = arith.constant 0 : i32
    %dma_wait3A_526 = tpu.memref_slice %arg3[%dma_wait3A_524, %dma_wait3A_525] : memref<50000x1024xf32, #tpu.memory_space<hbm>> -> memref<50000x1024xf32, #tpu.memory_space<hbm>>
    tpu.wait_indirect_dma semaphore(%arg12 : memref<!tpu.dma_semaphore, #tpu.memory_space<semaphore_mem>>) src(%dma_wait3A_526 : memref<50000x1024xf32, #tpu.memory_space<hbm>>) dst(%dma_wait3A_521 : memref<16x1024xf32, #tpu.memory_space<vmem>>)
    %add3A_527 = arith.constant 192 : i32
    %add3A_528 = arith.addi %mul3A_2, %add3A_527 : i32
    %dma_start3A_529 = arith.constant 0 : i32
    %dma_start3A_530 = arith.constant 0 : i32
    %dma_start3A_531 = tpu.memref_slice %arg6[%dma_start3A_529, %dma_start3A_530] : memref<16x1024xf32, #tpu.memory_space<vmem>> -> memref<16x1024xf32, #tpu.memory_space<vmem>>
    %dma_start3A_532 = arith.constant 0 : i32
    %dma_start3A_533 = tpu.memref_slice %arg4[%add3A_528, %dma_start3A_532] : memref<8192x1024xf32, #tpu.memory_space<hbm>> -> memref<16x1024xf32, #tpu.memory_space<hbm>>
    %dma_start3A_534 = arith.constant 0 : i32
    %dma_start3A_535 = tpu.memref_slice %arg4[%add3A_528, %dma_start3A_534] : memref<8192x1024xf32, #tpu.memory_space<hbm>> -> memref<16x1024xf32, #tpu.memory_space<hbm>>
    %dma_start3A_536 = arith.constant 0 : i32
    %dma_start3A_537 = arith.constant 0 : i32
    %dma_start3A_538 = tpu.memref_slice %arg6[%dma_start3A_536, %dma_start3A_537] : memref<16x1024xf32, #tpu.memory_space<vmem>> -> memref<16x1024xf32, #tpu.memory_space<vmem>>
    tpu.enqueue_dma source(%dma_start3A_538 : memref<16x1024xf32, #tpu.memory_space<vmem>>) target(%dma_start3A_535 : memref<16x1024xf32, #tpu.memory_space<hbm>>) target_semaphore(%arg18 : memref<!tpu.dma_semaphore, #tpu.memory_space<semaphore_mem>>)
    %dma_wait3A_539 = arith.constant 0 : i32
    %dma_wait3A_540 = arith.constant 0 : i32
    %dma_wait3A_541 = tpu.memref_slice %arg7[%dma_wait3A_539, %dma_wait3A_540] : memref<16x1024xf32, #tpu.memory_space<vmem>> -> memref<16x1024xf32, #tpu.memory_space<vmem>>
    %dma_wait3A_542 = arith.constant 208 : i32
    %dma_wait3A_543 = tpu.memref_slice %arg5[%dma_wait3A_542] : memref<256xi32, #tpu.memory_space<vmem>> -> memref<16xi32, #tpu.memory_space<vmem>>
    %dma_wait3A_544 = arith.constant 0 : i32
    %dma_wait3A_545 = arith.constant 0 : i32
    %dma_wait3A_546 = tpu.memref_slice %arg3[%dma_wait3A_544, %dma_wait3A_545] : memref<50000x1024xf32, #tpu.memory_space<hbm>> -> memref<50000x1024xf32, #tpu.memory_space<hbm>>
    tpu.wait_indirect_dma semaphore(%arg13 : memref<!tpu.dma_semaphore, #tpu.memory_space<semaphore_mem>>) src(%dma_wait3A_546 : memref<50000x1024xf32, #tpu.memory_space<hbm>>) dst(%dma_wait3A_541 : memref<16x1024xf32, #tpu.memory_space<vmem>>)
    %add3A_547 = arith.constant 208 : i32
    %add3A_548 = arith.addi %mul3A_2, %add3A_547 : i32
    %dma_start3A_549 = arith.constant 0 : i32
    %dma_start3A_550 = arith.constant 0 : i32
    %dma_start3A_551 = tpu.memref_slice %arg7[%dma_start3A_549, %dma_start3A_550] : memref<16x1024xf32, #tpu.memory_space<vmem>> -> memref<16x1024xf32, #tpu.memory_space<vmem>>
    %dma_start3A_552 = arith.constant 0 : i32
    %dma_start3A_553 = tpu.memref_slice %arg4[%add3A_548, %dma_start3A_552] : memref<8192x1024xf32, #tpu.memory_space<hbm>> -> memref<16x1024xf32, #tpu.memory_space<hbm>>
    %dma_start3A_554 = arith.constant 0 : i32
    %dma_start3A_555 = tpu.memref_slice %arg4[%add3A_548, %dma_start3A_554] : memref<8192x1024xf32, #tpu.memory_space<hbm>> -> memref<16x1024xf32, #tpu.memory_space<hbm>>
    %dma_start3A_556 = arith.constant 0 : i32
    %dma_start3A_557 = arith.constant 0 : i32
    %dma_start3A_558 = tpu.memref_slice %arg7[%dma_start3A_556, %dma_start3A_557] : memref<16x1024xf32, #tpu.memory_space<vmem>> -> memref<16x1024xf32, #tpu.memory_space<vmem>>
    tpu.enqueue_dma source(%dma_start3A_558 : memref<16x1024xf32, #tpu.memory_space<vmem>>) target(%dma_start3A_555 : memref<16x1024xf32, #tpu.memory_space<hbm>>) target_semaphore(%arg19 : memref<!tpu.dma_semaphore, #tpu.memory_space<semaphore_mem>>)
    %dma_wait3A_559 = arith.constant 0 : i32
    %dma_wait3A_560 = arith.constant 0 : i32
    %dma_wait3A_561 = tpu.memref_slice %arg8[%dma_wait3A_559, %dma_wait3A_560] : memref<16x1024xf32, #tpu.memory_space<vmem>> -> memref<16x1024xf32, #tpu.memory_space<vmem>>
    %dma_wait3A_562 = arith.constant 224 : i32
    %dma_wait3A_563 = tpu.memref_slice %arg5[%dma_wait3A_562] : memref<256xi32, #tpu.memory_space<vmem>> -> memref<16xi32, #tpu.memory_space<vmem>>
    %dma_wait3A_564 = arith.constant 0 : i32
    %dma_wait3A_565 = arith.constant 0 : i32
    %dma_wait3A_566 = tpu.memref_slice %arg3[%dma_wait3A_564, %dma_wait3A_565] : memref<50000x1024xf32, #tpu.memory_space<hbm>> -> memref<50000x1024xf32, #tpu.memory_space<hbm>>
    tpu.wait_indirect_dma semaphore(%arg14 : memref<!tpu.dma_semaphore, #tpu.memory_space<semaphore_mem>>) src(%dma_wait3A_566 : memref<50000x1024xf32, #tpu.memory_space<hbm>>) dst(%dma_wait3A_561 : memref<16x1024xf32, #tpu.memory_space<vmem>>)
    %add3A_567 = arith.constant 224 : i32
    %add3A_568 = arith.addi %mul3A_2, %add3A_567 : i32
    %dma_start3A_569 = arith.constant 0 : i32
    %dma_start3A_570 = arith.constant 0 : i32
    %dma_start3A_571 = tpu.memref_slice %arg8[%dma_start3A_569, %dma_start3A_570] : memref<16x1024xf32, #tpu.memory_space<vmem>> -> memref<16x1024xf32, #tpu.memory_space<vmem>>
    %dma_start3A_572 = arith.constant 0 : i32
    %dma_start3A_573 = tpu.memref_slice %arg4[%add3A_568, %dma_start3A_572] : memref<8192x1024xf32, #tpu.memory_space<hbm>> -> memref<16x1024xf32, #tpu.memory_space<hbm>>
    %dma_start3A_574 = arith.constant 0 : i32
    %dma_start3A_575 = tpu.memref_slice %arg4[%add3A_568, %dma_start3A_574] : memref<8192x1024xf32, #tpu.memory_space<hbm>> -> memref<16x1024xf32, #tpu.memory_space<hbm>>
    %dma_start3A_576 = arith.constant 0 : i32
    %dma_start3A_577 = arith.constant 0 : i32
    %dma_start3A_578 = tpu.memref_slice %arg8[%dma_start3A_576, %dma_start3A_577] : memref<16x1024xf32, #tpu.memory_space<vmem>> -> memref<16x1024xf32, #tpu.memory_space<vmem>>
    tpu.enqueue_dma source(%dma_start3A_578 : memref<16x1024xf32, #tpu.memory_space<vmem>>) target(%dma_start3A_575 : memref<16x1024xf32, #tpu.memory_space<hbm>>) target_semaphore(%arg20 : memref<!tpu.dma_semaphore, #tpu.memory_space<semaphore_mem>>)
    %dma_wait3A_579 = arith.constant 0 : i32
    %dma_wait3A_580 = arith.constant 0 : i32
    %dma_wait3A_581 = tpu.memref_slice %arg9[%dma_wait3A_579, %dma_wait3A_580] : memref<16x1024xf32, #tpu.memory_space<vmem>> -> memref<8x1024xf32, #tpu.memory_space<vmem>>
    %dma_wait3A_582 = arith.constant 240 : i32
    %dma_wait3A_583 = tpu.memref_slice %arg5[%dma_wait3A_582] : memref<256xi32, #tpu.memory_space<vmem>> -> memref<8xi32, #tpu.memory_space<vmem>>
    %dma_wait3A_584 = arith.constant 0 : i32
    %dma_wait3A_585 = arith.constant 0 : i32
    %dma_wait3A_586 = tpu.memref_slice %arg3[%dma_wait3A_584, %dma_wait3A_585] : memref<50000x1024xf32, #tpu.memory_space<hbm>> -> memref<50000x1024xf32, #tpu.memory_space<hbm>>
    tpu.wait_indirect_dma semaphore(%arg15 : memref<!tpu.dma_semaphore, #tpu.memory_space<semaphore_mem>>) src(%dma_wait3A_586 : memref<50000x1024xf32, #tpu.memory_space<hbm>>) dst(%dma_wait3A_581 : memref<8x1024xf32, #tpu.memory_space<vmem>>)
    %add3A_587 = arith.constant 240 : i32
    %add3A_588 = arith.addi %mul3A_2, %add3A_587 : i32
    %dma_start3A_589 = arith.constant 0 : i32
    %dma_start3A_590 = arith.constant 0 : i32
    %dma_start3A_591 = tpu.memref_slice %arg9[%dma_start3A_589, %dma_start3A_590] : memref<16x1024xf32, #tpu.memory_space<vmem>> -> memref<8x1024xf32, #tpu.memory_space<vmem>>
    %dma_start3A_592 = arith.constant 0 : i32
    %dma_start3A_593 = tpu.memref_slice %arg4[%add3A_588, %dma_start3A_592] : memref<8192x1024xf32, #tpu.memory_space<hbm>> -> memref<8x1024xf32, #tpu.memory_space<hbm>>
    %dma_start3A_594 = arith.constant 0 : i32
    %dma_start3A_595 = tpu.memref_slice %arg4[%add3A_588, %dma_start3A_594] : memref<8192x1024xf32, #tpu.memory_space<hbm>> -> memref<8x1024xf32, #tpu.memory_space<hbm>>
    %dma_start3A_596 = arith.constant 0 : i32
    %dma_start3A_597 = arith.constant 0 : i32
    %dma_start3A_598 = tpu.memref_slice %arg9[%dma_start3A_596, %dma_start3A_597] : memref<16x1024xf32, #tpu.memory_space<vmem>> -> memref<8x1024xf32, #tpu.memory_space<vmem>>
    tpu.enqueue_dma source(%dma_start3A_598 : memref<8x1024xf32, #tpu.memory_space<vmem>>) target(%dma_start3A_595 : memref<8x1024xf32, #tpu.memory_space<hbm>>) target_semaphore(%arg21 : memref<!tpu.dma_semaphore, #tpu.memory_space<semaphore_mem>>)
    %dma_wait3A_599 = arith.constant 0 : i32
    %dma_wait3A_600 = arith.constant 0 : i32
    %dma_wait3A_601 = tpu.memref_slice %arg10[%dma_wait3A_599, %dma_wait3A_600] : memref<16x1024xf32, #tpu.memory_space<vmem>> -> memref<8x1024xf32, #tpu.memory_space<vmem>>
    %dma_wait3A_602 = arith.constant 248 : i32
    %dma_wait3A_603 = tpu.memref_slice %arg5[%dma_wait3A_602] : memref<256xi32, #tpu.memory_space<vmem>> -> memref<8xi32, #tpu.memory_space<vmem>>
    %dma_wait3A_604 = arith.constant 0 : i32
    %dma_wait3A_605 = arith.constant 0 : i32
    %dma_wait3A_606 = tpu.memref_slice %arg3[%dma_wait3A_604, %dma_wait3A_605] : memref<50000x1024xf32, #tpu.memory_space<hbm>> -> memref<50000x1024xf32, #tpu.memory_space<hbm>>
    tpu.wait_indirect_dma semaphore(%arg16 : memref<!tpu.dma_semaphore, #tpu.memory_space<semaphore_mem>>) src(%dma_wait3A_606 : memref<50000x1024xf32, #tpu.memory_space<hbm>>) dst(%dma_wait3A_601 : memref<8x1024xf32, #tpu.memory_space<vmem>>)
    %add3A_607 = arith.constant 248 : i32
    %add3A_608 = arith.addi %mul3A_2, %add3A_607 : i32
    %dma_start3A_609 = arith.constant 0 : i32
    %dma_start3A_610 = arith.constant 0 : i32
    %dma_start3A_611 = tpu.memref_slice %arg10[%dma_start3A_609, %dma_start3A_610] : memref<16x1024xf32, #tpu.memory_space<vmem>> -> memref<8x1024xf32, #tpu.memory_space<vmem>>
    %dma_start3A_612 = arith.constant 0 : i32
    %dma_start3A_613 = tpu.memref_slice %arg4[%add3A_608, %dma_start3A_612] : memref<8192x1024xf32, #tpu.memory_space<hbm>> -> memref<8x1024xf32, #tpu.memory_space<hbm>>
    %dma_start3A_614 = arith.constant 0 : i32
    %dma_start3A_615 = tpu.memref_slice %arg4[%add3A_608, %dma_start3A_614] : memref<8192x1024xf32, #tpu.memory_space<hbm>> -> memref<8x1024xf32, #tpu.memory_space<hbm>>
    %dma_start3A_616 = arith.constant 0 : i32
    %dma_start3A_617 = arith.constant 0 : i32
    %dma_start3A_618 = tpu.memref_slice %arg10[%dma_start3A_616, %dma_start3A_617] : memref<16x1024xf32, #tpu.memory_space<vmem>> -> memref<8x1024xf32, #tpu.memory_space<vmem>>
    tpu.enqueue_dma source(%dma_start3A_618 : memref<8x1024xf32, #tpu.memory_space<vmem>>) target(%dma_start3A_615 : memref<8x1024xf32, #tpu.memory_space<hbm>>) target_semaphore(%arg22 : memref<!tpu.dma_semaphore, #tpu.memory_space<semaphore_mem>>)
    %dma_wait3A_619 = arith.constant 0 : i32
    %dma_wait3A_620 = arith.constant 0 : i32
    %dma_wait3A_621 = tpu.memref_slice %arg6[%dma_wait3A_619, %dma_wait3A_620] : memref<16x1024xf32, #tpu.memory_space<vmem>> -> memref<16x1024xf32, #tpu.memory_space<vmem>>
    %dma_wait3A_622 = arith.constant 0 : i32
    %dma_wait3A_623 = tpu.memref_slice %arg4[%add3A_528, %dma_wait3A_622] : memref<8192x1024xf32, #tpu.memory_space<hbm>> -> memref<16x1024xf32, #tpu.memory_space<hbm>>
    %dma_wait3A_624 = arith.constant 0 : i32
    %dma_wait3A_625 = tpu.memref_slice %arg4[%add3A_528, %dma_wait3A_624] : memref<8192x1024xf32, #tpu.memory_space<hbm>> -> memref<16x1024xf32, #tpu.memory_space<hbm>>
    %dma_wait3A_626 = arith.constant 0 : i32
    %dma_wait3A_627 = arith.constant 0 : i32
    %dma_wait3A_628 = tpu.memref_slice %arg6[%dma_wait3A_626, %dma_wait3A_627] : memref<16x1024xf32, #tpu.memory_space<vmem>> -> memref<16x1024xf32, #tpu.memory_space<vmem>>
    tpu.wait_dma2 semaphore(%arg18 : memref<!tpu.dma_semaphore, #tpu.memory_space<semaphore_mem>>) src(%dma_wait3A_628 : memref<16x1024xf32, #tpu.memory_space<vmem>>) dst(%dma_wait3A_625 : memref<16x1024xf32, #tpu.memory_space<hbm>>)
    %dma_wait3A_629 = arith.constant 0 : i32
    %dma_wait3A_630 = arith.constant 0 : i32
    %dma_wait3A_631 = tpu.memref_slice %arg7[%dma_wait3A_629, %dma_wait3A_630] : memref<16x1024xf32, #tpu.memory_space<vmem>> -> memref<16x1024xf32, #tpu.memory_space<vmem>>
    %dma_wait3A_632 = arith.constant 0 : i32
    %dma_wait3A_633 = tpu.memref_slice %arg4[%add3A_548, %dma_wait3A_632] : memref<8192x1024xf32, #tpu.memory_space<hbm>> -> memref<16x1024xf32, #tpu.memory_space<hbm>>
    %dma_wait3A_634 = arith.constant 0 : i32
    %dma_wait3A_635 = tpu.memref_slice %arg4[%add3A_548, %dma_wait3A_634] : memref<8192x1024xf32, #tpu.memory_space<hbm>> -> memref<16x1024xf32, #tpu.memory_space<hbm>>
    %dma_wait3A_636 = arith.constant 0 : i32
    %dma_wait3A_637 = arith.constant 0 : i32
    %dma_wait3A_638 = tpu.memref_slice %arg7[%dma_wait3A_636, %dma_wait3A_637] : memref<16x1024xf32, #tpu.memory_space<vmem>> -> memref<16x1024xf32, #tpu.memory_space<vmem>>
    tpu.wait_dma2 semaphore(%arg19 : memref<!tpu.dma_semaphore, #tpu.memory_space<semaphore_mem>>) src(%dma_wait3A_638 : memref<16x1024xf32, #tpu.memory_space<vmem>>) dst(%dma_wait3A_635 : memref<16x1024xf32, #tpu.memory_space<hbm>>)
    %dma_wait3A_639 = arith.constant 0 : i32
    %dma_wait3A_640 = arith.constant 0 : i32
    %dma_wait3A_641 = tpu.memref_slice %arg8[%dma_wait3A_639, %dma_wait3A_640] : memref<16x1024xf32, #tpu.memory_space<vmem>> -> memref<16x1024xf32, #tpu.memory_space<vmem>>
    %dma_wait3A_642 = arith.constant 0 : i32
    %dma_wait3A_643 = tpu.memref_slice %arg4[%add3A_568, %dma_wait3A_642] : memref<8192x1024xf32, #tpu.memory_space<hbm>> -> memref<16x1024xf32, #tpu.memory_space<hbm>>
    %dma_wait3A_644 = arith.constant 0 : i32
    %dma_wait3A_645 = tpu.memref_slice %arg4[%add3A_568, %dma_wait3A_644] : memref<8192x1024xf32, #tpu.memory_space<hbm>> -> memref<16x1024xf32, #tpu.memory_space<hbm>>
    %dma_wait3A_646 = arith.constant 0 : i32
    %dma_wait3A_647 = arith.constant 0 : i32
    %dma_wait3A_648 = tpu.memref_slice %arg8[%dma_wait3A_646, %dma_wait3A_647] : memref<16x1024xf32, #tpu.memory_space<vmem>> -> memref<16x1024xf32, #tpu.memory_space<vmem>>
    tpu.wait_dma2 semaphore(%arg20 : memref<!tpu.dma_semaphore, #tpu.memory_space<semaphore_mem>>) src(%dma_wait3A_648 : memref<16x1024xf32, #tpu.memory_space<vmem>>) dst(%dma_wait3A_645 : memref<16x1024xf32, #tpu.memory_space<hbm>>)
    %dma_wait3A_649 = arith.constant 0 : i32
    %dma_wait3A_650 = arith.constant 0 : i32
    %dma_wait3A_651 = tpu.memref_slice %arg9[%dma_wait3A_649, %dma_wait3A_650] : memref<16x1024xf32, #tpu.memory_space<vmem>> -> memref<8x1024xf32, #tpu.memory_space<vmem>>
    %dma_wait3A_652 = arith.constant 0 : i32
    %dma_wait3A_653 = tpu.memref_slice %arg4[%add3A_588, %dma_wait3A_652] : memref<8192x1024xf32, #tpu.memory_space<hbm>> -> memref<8x1024xf32, #tpu.memory_space<hbm>>
    %dma_wait3A_654 = arith.constant 0 : i32
    %dma_wait3A_655 = tpu.memref_slice %arg4[%add3A_588, %dma_wait3A_654] : memref<8192x1024xf32, #tpu.memory_space<hbm>> -> memref<8x1024xf32, #tpu.memory_space<hbm>>
    %dma_wait3A_656 = arith.constant 0 : i32
    %dma_wait3A_657 = arith.constant 0 : i32
    %dma_wait3A_658 = tpu.memref_slice %arg9[%dma_wait3A_656, %dma_wait3A_657] : memref<16x1024xf32, #tpu.memory_space<vmem>> -> memref<8x1024xf32, #tpu.memory_space<vmem>>
    tpu.wait_dma2 semaphore(%arg21 : memref<!tpu.dma_semaphore, #tpu.memory_space<semaphore_mem>>) src(%dma_wait3A_658 : memref<8x1024xf32, #tpu.memory_space<vmem>>) dst(%dma_wait3A_655 : memref<8x1024xf32, #tpu.memory_space<hbm>>)
    %dma_wait3A_659 = arith.constant 0 : i32
    %dma_wait3A_660 = arith.constant 0 : i32
    %dma_wait3A_661 = tpu.memref_slice %arg10[%dma_wait3A_659, %dma_wait3A_660] : memref<16x1024xf32, #tpu.memory_space<vmem>> -> memref<8x1024xf32, #tpu.memory_space<vmem>>
    %dma_wait3A_662 = arith.constant 0 : i32
    %dma_wait3A_663 = tpu.memref_slice %arg4[%add3A_608, %dma_wait3A_662] : memref<8192x1024xf32, #tpu.memory_space<hbm>> -> memref<8x1024xf32, #tpu.memory_space<hbm>>
    %dma_wait3A_664 = arith.constant 0 : i32
    %dma_wait3A_665 = tpu.memref_slice %arg4[%add3A_608, %dma_wait3A_664] : memref<8192x1024xf32, #tpu.memory_space<hbm>> -> memref<8x1024xf32, #tpu.memory_space<hbm>>
    %dma_wait3A_666 = arith.constant 0 : i32
    %dma_wait3A_667 = arith.constant 0 : i32
    %dma_wait3A_668 = tpu.memref_slice %arg10[%dma_wait3A_666, %dma_wait3A_667] : memref<16x1024xf32, #tpu.memory_space<vmem>> -> memref<8x1024xf32, #tpu.memory_space<vmem>>
    tpu.wait_dma2 semaphore(%arg22 : memref<!tpu.dma_semaphore, #tpu.memory_space<semaphore_mem>>) src(%dma_wait3A_668 : memref<8x1024xf32, #tpu.memory_space<vmem>>) dst(%dma_wait3A_665 : memref<8x1024xf32, #tpu.memory_space<hbm>>)
    %dma_wait3A_669 = arith.constant 0 : i32
    %dma_wait3A_670 = arith.constant 0 : i32
    %dma_wait3A_671 = tpu.memref_slice %arg11[%dma_wait3A_669, %dma_wait3A_670] : memref<16x1024xf32, #tpu.memory_space<vmem>> -> memref<16x1024xf32, #tpu.memory_space<vmem>>
    %dma_wait3A_672 = arith.constant 0 : i32
    %dma_wait3A_673 = tpu.memref_slice %arg4[%add3A_490, %dma_wait3A_672] : memref<8192x1024xf32, #tpu.memory_space<hbm>> -> memref<16x1024xf32, #tpu.memory_space<hbm>>
    %dma_wait3A_674 = arith.constant 0 : i32
    %dma_wait3A_675 = tpu.memref_slice %arg4[%add3A_490, %dma_wait3A_674] : memref<8192x1024xf32, #tpu.memory_space<hbm>> -> memref<16x1024xf32, #tpu.memory_space<hbm>>
    %dma_wait3A_676 = arith.constant 0 : i32
    %dma_wait3A_677 = arith.constant 0 : i32
    %dma_wait3A_678 = tpu.memref_slice %arg11[%dma_wait3A_676, %dma_wait3A_677] : memref<16x1024xf32, #tpu.memory_space<vmem>> -> memref<16x1024xf32, #tpu.memory_space<vmem>>
    tpu.wait_dma2 semaphore(%arg23 : memref<!tpu.dma_semaphore, #tpu.memory_space<semaphore_mem>>) src(%dma_wait3A_678 : memref<16x1024xf32, #tpu.memory_space<vmem>>) dst(%dma_wait3A_675 : memref<16x1024xf32, #tpu.memory_space<hbm>>)
    return
  }
}

</mosaic_0001>

<sc_bundles>
// kernel: kernel.3.cloned.1.call-start
scs
__scs_entry_jumppad:
0x0: {  	(pc) =	sbr.rel $0x88, $3  }
0x1: {  	(tag) =	ssettag $0x0;
	lr =	simm.s32 $0x1  }
0x2: {  	[smem:$0x3F9F] =	sst lr;
	_ =	strace $0xD0000000  }
0x3: {  	_ = 	snop  }
0x4: {  	_ = 	snop  }
0x5: {  	_ = 	snop  }
0x6: {  	_ = 	snop  }
0x7: {  	_ = 	snop  }
__scs_overlays_trampoline_lowered:
0x8: {  	[smem:$0x3FAE] =	sst s0  }
0x9: {  	[smem:$0x3FAF] =	sst s1  }
0xa: {  	[smem:$0x3FB0] =	sst s2  }
0xb: {  	[smem:$0x3FB1] =	sst s3  }
0xc: {  	[smem:$0x3FB2] =	sst s4  }
0xd: {  	[smem:$0x3FB3] =	sst s5  }
0xe: {  	[smem:$0x3FB4] =	sst s6  }
0xf: {  	[smem:$0x3FB5] =	sst s7  }
0x10: {  	[smem:$0x3FB6] =	sst s8  }
0x11: {  	[smem:$0x3FB7] =	sst s9;
	s0 =	simm.s32 @!p0 $0x0  }
0x12: {  	s1 =	sld [smem:$0x3F9D];
	s0 =	simm.s32 @p0 $0x1  }
0x13: {  	[smem:$0x3FB8] =	sst s0;
	s0 =	simm.s32 @!p1 $0x0  }
0x14: {  	s2 =	sld [smem:$0x3F9C];
	s0 =	simm.s32 @p1 $0x1  }
0x15: {  	[smem:$0x3FB9] =	sst s0;
	s0 =	simm.s32 @!p2 $0x0  }
0x16: {  	s3 =	sld [smem:$0x3FDB];
	s0 =	simm.s32 @p2 $0x1  }
0x17: {  	s4 =	simm.s32 $0x1BF5;
	[smem:$0x3FBB] =	sst s0  }
0x18: {  	s0 =	sld [smem:$0x3F9E];
	_ =	swait.ge [sflag:s4], $0x0  }
0x19: {  	s7 =	sld [smem:$0x3F9F]  }
0x1a: {  	s8 =	sadd.s32 $0xFFFFE003, lr  }
0x1b: {  	s9 =	sadd.s32 $0xFFFFFEF7, lr;
	s5 =	simm.s32 $0xFFFFFFFF;
	p2 =	slt.u32 s8, $0xFFFFF086  }
0x1c: {  	p1 =	slt.u32 s9, $0xF7A;
	s5 =	simm.s32 @!p2 $0x0  }
0x1d: {  	s5 =	simm.s32 @p1 $0x1;
	p0 =	seq.s32 s7, s2  }
0x1e: {  	s7 =	smul.u32 @!p0 $0xF7A, s2;
	p2 =	seq.s32 @!p0 s5, $0x0  }
0x1f: {  	s9 =	smul.u32 $0xF7A, s1;
	s8 =	simm.s32 @!p0 $0x1BF5;
	p2 =	por !p2, p0  }
0x20: {  	[sflag:s8] =	ssyncset.s32 @!p0 $0xFFFFF086;
	s6 =	sadd.s32 @!p0 s3, s7;
	s7 =	simm.s32 @!p0 $0x108  }
0x21: {  	s3 =	sadd.s32 s3, s9;
	s6 =	sadd.s32 @!p0 $0x88, s6;
	s7 =	simm.s32 @p2 $0x1082  }
0x22: {  	[simem:s7], [sflag:s8] =	dma.local @!p0 [hbm:s6], $0xF7A  }
0x23: {  	s9 =	sor.u32 $0xD0000000, s2;
	s6 =	simm.s32 $0x108;
	_ =	swait.ge @!p0 [sflag:s8], $0x0  }
0x24: {  	s3 =	sadd.s32 $0x88, s3;
	s6 =	simm.s32 @!p1 $0x1082;
	[sflag:s4] =	ssyncset.s32 $0xFFFFF086  }
0x25: {  	[simem:s6], [sflag:s4] =	dma.local [hbm:s3], $0xF7A  }
0x26: {  	[smem:$0x3F9F] =	sst s1;
	(tag) =	ssettag s2;
	_ =	strace s9  }
0x27: {  	s1 =	sld [smem:$0x3FAF]  }
0x28: {  	s2 =	sld [smem:$0x3FB0]  }
0x29: {  	s4 =	sld [smem:$0x3FB2]  }
0x2a: {  	p0 =	seq.s32 s5, $0x0;
	s5 =	sld [smem:$0x3FB3]  }
0x2b: {  	s6 =	sld [smem:$0x3FB4]  }
0x2c: {  	s7 =	sld [smem:$0x3FB5]  }
0x2d: {  	s3 =	simm.s32 $0x108;
	s8 =	sld [smem:$0x3FB6]  }
0x2e: {  	s3 =	simm.s32 @!p0 $0x1082;
	s9 =	sld [smem:$0x3FB7]  }
0x2f: {  	lr =	sadd.s32 s0, s3;
	s0 =	sld [smem:$0x3FAE]  }
0x30: {  	s3 =	sld [smem:$0x3FB1]  }
0x31: {  	[smem:$0x3FBA] =	sst s10  }
0x32: {  	s10 =	sld [smem:$0x3FB8];
	_ =	sdelay $0x3  }
0x33: {  	p0 =	seq.s32 s10, $0x1;
	s10 =	sld [smem:$0x3FBA];
	_ =	sdelay $0x3  }
0x34: {  	[smem:$0x3FBA] =	sst s10  }
0x35: {  	s10 =	sld [smem:$0x3FB9];
	_ =	sdelay $0x3  }
0x36: {  	p1 =	seq.s32 s10, $0x1;
	s10 =	sld [smem:$0x3FBA];
	_ =	sdelay $0x3  }
0x37: {  	[smem:$0x3FBA] =	sst s10  }
0x38: {  	s10 =	sld [smem:$0x3FBB]  }
0x39: {  	_ = 	snop;
	(pc) =	sbr.ind lr, $3  }
0x3a: {  	_ = 	snop  }
0x3b: {  	_ = 	snop  }
0x3c: {  	p2 =	seq.s32 s10, $0x1;
	s10 =	sld [smem:$0x3FBA]  }
0x3d: {  	_ =	shalt  }
0x3e: {  	_ =	shalt  }
0x3f: {  	_ =	shalt  }
0x40: {  	_ =	shalt  }
0x41: {  	_ =	shalt  }
0x42: {  	_ =	shalt  }
0x43: {  	_ =	shalt  }
0x44: {  	_ =	shalt  }
0x45: {  	_ =	shalt  }
0x46: {  	_ =	shalt  }
0x47: {  	_ =	shalt  }
0x48: {  	_ =	shalt  }
0x49: {  	_ =	shalt  }
0x4a: {  	_ =	shalt  }
0x4b: {  	_ =	shalt  }
0x4c: {  	_ =	shalt  }
0x4d: {  	_ =	shalt  }
0x4e: {  	_ =	shalt  }
0x4f: {  	_ =	shalt  }
0x50: {  	_ =	shalt  }
0x51: {  	_ =	shalt  }
0x52: {  	_ =	shalt  }
0x53: {  	_ =	shalt  }
0x54: {  	_ =	shalt  }
0x55: {  	_ =	shalt  }
0x56: {  	_ =	shalt  }
0x57: {  	_ =	shalt  }
0x58: {  	_ =	shalt  }
0x59: {  	_ =	shalt  }
0x5a: {  	_ =	shalt  }
0x5b: {  	_ =	shalt  }
0x5c: {  	_ =	shalt  }
0x5d: {  	_ =	shalt  }
0x5e: {  	_ =	shalt  }
0x5f: {  	_ =	shalt  }
0x60: {  	_ =	shalt  }
0x61: {  	_ =	shalt  }
0x62: {  	_ =	shalt  }
0x63: {  	_ =	shalt  }
0x64: {  	_ =	shalt  }
0x65: {  	_ =	shalt  }
0x66: {  	_ =	shalt  }
0x67: {  	_ =	shalt  }
0x68: {  	_ =	shalt  }
0x69: {  	_ =	shalt  }
0x6a: {  	_ =	shalt  }
0x6b: {  	_ =	shalt  }
0x6c: {  	_ =	shalt  }
0x6d: {  	_ =	shalt  }
0x6e: {  	_ =	shalt  }
0x6f: {  	_ =	shalt  }
0x70: {  	_ =	shalt  }
0x71: {  	_ =	shalt  }
0x72: {  	_ =	shalt  }
0x73: {  	_ =	shalt  }
0x74: {  	_ =	shalt  }
0x75: {  	_ =	shalt  }
0x76: {  	_ =	shalt  }
0x77: {  	_ =	shalt  }
0x78: {  	_ =	shalt  }
0x79: {  	_ =	shalt  }
0x7a: {  	_ =	shalt  }
0x7b: {  	_ =	shalt  }
0x7c: {  	_ =	shalt  }
0x7d: {  	_ =	shalt  }
0x7e: {  	_ =	shalt  }
0x7f: {  	_ =	shalt  }
0x80: {  	_ =	shalt  }
0x81: {  	_ =	shalt  }
0x82: {  	_ =	shalt  }
0x83: {  	_ =	shalt  }
0x84: {  	_ =	shalt  }
0x85: {  	_ =	shalt  }
0x86: {  	_ =	shalt  }
0x87: {  	_ =	shalt  }
.Lfunc_end0:
.L_simem_size_0:
called_computation_lowered:
.L_overlay_start_0:
0x88: {  	s2 =	sld [smem:$0x3FD9]  }
0x89: {  	s3 =	sld [smem:$0x3FFE];
	_ =	sdelay $0x1  }
0x8a: {  	s1 =	srdreg.scid  }
0x8b: {  	s0 =	sand.u32 $0x1, s1  }
0x8c: {  	s18 =	sshll.u32 s0, $0xA;
	s2 =	sadd.s32 s3, s2  }
0x8d: {  	s2 =	sadd.s32 s2, s18  }
0x8e: {  	[smem:$0x3FC6] =	sst s2  }
0x8f: {  	_ = 	snop  }
0x90: {  	s2 =	sld [smem:$0x3FC9]  }
0x91: {  	s19 =	sld [smem:$0x3FC8]  }
0x92: {  	s4 =	sld [smem:$0x3FD0];
	(tm) =	ssettm $0x1  }
0x93: {  	s5 =	sld [smem:$0x3FFB];
	_ =	sdelay $0x3  }
0x94: {  	_ =	strace s5  }
0x95: {  	s5 =	sld [smem:$0x3FFC];
	_ =	sdelay $0x3  }
0x96: {  	_ =	strace s5  }
0x97: {  	s5 =	sld [smem:$0x3FFD];
	_ =	sdelay $0x3  }
0x98: {  	_ =	strace s5  }
0x99: {  	_ =	strace $0x8FFFFFFF  }
0x9a: {  	s20 =	sld [smem:$0x3FDB];
	_ =	sdelay $0x1  }
0x9b: {  	s6 =	simm.s32 $_scs_section_size  }
0x9c: {  	s7 =	simm.s32 $_size__tile_overlayer_lowered;
	s8 =	simm.s32 $_tile_overlayer_lowered  }
0x9d: {  	s23 =	simm.s32 $0x1BFF;
	s22 =	sshll.u32 s8, $0x1;
	s5 =	sadd.s32 s6, s20  }
0x9e: {  	s9 =	simm.s32 $0x0;
	s21 =	sshll.u32 s7, $0x1;
	s7 =	sadd.s32 s22, s5  }
0x9f: {  	[timem:s9], [sflag:s23] =	dma.local [hbm:s7], s21  }
0xa0: {  	_ =	swait.ge [sflag:s23], s21  }
0xa1: {  	s6 =	ssub.s32 $0x0, s21;
	[sflag:s23] =	ssyncset.done $0x0  }
0xa2: {  	[sflag:s23] =	ssyncadd.s32 s6;
	_ =	sdelay $0x1  }
0xa3: {  	s24 =	simm.s32 $0x1B8B  }
0xa4: {  	_ =	swait.ge [sflag:s24], $0x1  }
0xa5: {  	[sflag:s24] =	ssyncset.done $0x0  }
0xa6: {  	s25 =	simm.s32 $0x1B8E;
	[sflag:s24] =	ssyncadd.s32 $0xFFFFFFFF  }
0xa7: {  	s26 =	simm.s32 $execute0_lowered;
	[smem:$0x3FD2] =	sst s25  }
0xa8: {  	s6 =	sshll.u32 s26, $0x1;
	_ =	strace $0x80000046;
	[dreg:$0x1] =	wrdreg $0xFFFFFFFF  }
0xa9: {  	s28 =	simm.s32 $_size_execute0_lowered;
	s5 =	sadd.s32 s5, s6;
	[dreg:$0x0] =	wrdreg $0x0  }
0xaa: {  	s6 =	sshll.u32 s28, $0x1;
	[dreg:$0x2] =	wrdreg s5  }
0xab: {  	[dreg:$0x3] =	wrdreg s6  }
0xac: {  	[dreg:$0x4] =	wrdreg $0xC0  }
0xad: {  	_ =	task [dreg:s9], $0x5FFFF  }
0xae: {  	[dreg:$0x1] =	wrdreg $0xFFFFFFFF  }
0xaf: {  	[dreg:$0x0] =	wrdreg $0x60  }
0xb0: {  	[dreg:$0x2] =	wrdreg s2  }
0xb1: {  	[dreg:$0x3] =	wrdreg s19  }
0xb2: {  	[dreg:$0x4] =	wrdreg s4  }
0xb3: {  	[dreg:$0x5] =	wrdreg $0x9  }
0xb4: {  	_ =	task.clear_ibuf [dreg:s9], $0x6FFFF;
	_ =	strace $0x90000046  }
0xb5: {  	s29 =	simm.s32 $0x9;
	_ =	strace $0x80000048  }
0xb6: {  	_ =	swait.ge [sflag:s29], $0x1  }
0xb7: {  	[sflag:s29] =	ssyncadd.s32 $0xFFFFFFFF  }
0xb8: {  	_ =	strace $0x90000048  }
0xb9: {  	_ =	sfence  }
0xba: {  	s30 =	sld [smem:$0x0];
	_ =	sdelay $0x2  }
0xbb: {  	s31 =	sshll.u32 s1, $0xD;
	s1 =	sshrl.u32 s1, $0x2  }
0xbc: {  	s3 =	sand.u32 $0x4000, s31;
	s1 =	sadd.s32 s1, s30  }
0xbd: {  	s0 =	sor.u32 s3, s0;
	s1 =	sshll.u32 s1, $0x11  }
0xbe: {  	s0 =	sor.u32 s1, s0  }
0xbf: {  	s0 =	sadd.s32 $0x8F2B, s0  }
0xc0: {  	[sflag:s0] =	ssyncadd.remote.s32 $0x1  }
0xc1: {  	_ =	sfence.sel $0xFFFF  }
0xc2: {  	[dreg:$0x0] =	wrdreg $0xFFFFFFFF;
	(pc) =	sbr.abs _section_cstart, $3  }
0xc3: {  	[dreg:$0x1] =	wrdreg $0xFFFFFFFF  }
0xc4: {  	_ =	task.clear_ibuf [dreg:s9], $0x2FFFF;
	_ =	strace $0x9FFFFFFF  }
0xc5: {  	(tm) =	ssettm $0x7FFFFFFF  }
tec
execute0_lowered:
.L_overlay_start_1:
0x0: {  	(tag) =	ssettag $0x1  }
0x1: {  	s0 =	rddreg [dreg:$0x0]  }
0x2: {  	s2 =	rddreg [dreg:$0x1]  }
0x3: {  	s1 =	rddreg [dreg:$0x2];
	s3 =	srdreg.scid  }
0x4: {  	s6 =	stileid.u32;
	s25 =	simm.s32 $0x80;
	s26 =	simm.s32 $0x200  }
0x5: {  	s4 =	sand.u32 $0x1, s3;
	s5 =	sshll.u32 s6, $0x1;
	s6 =	sshll.u32 s6, $0x2  }
0x6: {  	s3 =	simm.s32 $0x0;
	s5 =	sor.u32 s4, s5;
	s6 =	sand.u32 $0x30, s6  }
0x7: {  	[smem:$0x7FF] =	sst s3;
	s7 =	sshll.u32 s5, $0x7;
	s0 =	sadd.s32 s0, s6  }
0x8: {  	_ =	strace $0x80000047;
	[dreg:$0x15] =	wrdreg s25;
	s7 =	sand.u32 $0x380, s7  }
0x9: {  	s5 =	sshll.u32 s5, $0xF;
	[dreg:$0x16] =	wrdreg s26;
	s0 =	sadd.s32 s7, s0  }
0xa: {  	s7 =	sadd.s32 s1, s5;
	[dreg:$0x4] =	wrdreg s0  }
0xb: {  	s8 =	sadd.s32 $0x800, s7;
	[dreg:$0x17] =	wrdreg s7  }
0xc: {  	s9 =	sadd.s32 $0x1000, s7;
	[dreg:$0x5] =	wrdreg s8  }
0xd: {  	s10 =	sadd.s32 $0x1800, s7;
	[dreg:$0x6] =	wrdreg s9  }
0xe: {  	s11 =	sadd.s32 $0x2000, s7;
	[dreg:$0x7] =	wrdreg s10  }
0xf: {  	s28 =	simm.s32 $0x9;
	s12 =	sadd.s32 $0x2800, s7;
	[dreg:$0x8] =	wrdreg s11  }
0x10: {  	s29 =	simm.s32 $0x5;
	s13 =	sadd.s32 $0x3000, s7;
	[dreg:$0x9] =	wrdreg s12  }
0x11: {  	s30 =	simm.s32 $0xA;
	s14 =	sadd.s32 $0x3800, s7;
	[dreg:$0xa] =	wrdreg s13  }
0x12: {  	s31 =	simm.s32 $0x12100;
	s15 =	sadd.s32 $0x4000, s7;
	[dreg:$0xb] =	wrdreg s14  }
0x13: {  	s20 =	ssub.s32 $0x2, s4;
	s16 =	sadd.s32 $0x4800, s7;
	[dreg:$0xc] =	wrdreg s15  }
0x14: {  	s4 =	sshrl.u32 s20, $0x1;
	s17 =	sadd.s32 $0x5000, s7;
	[dreg:$0xd] =	wrdreg s16  }
0x15: {  	s6 =	sadd.s32 $0x200, s2;
	s18 =	sadd.s32 $0x5800, s7;
	[dreg:$0xe] =	wrdreg s17  }
0x16: {  	s25 =	simm.s32 $0x4;
	s19 =	sadd.s32 $0x6000, s7;
	[dreg:$0xf] =	wrdreg s18  }
0x17: {  	s26 =	simm.s32 $0x4100;
	s21 =	sadd.s32 $0x6800, s7;
	[dreg:$0x10] =	wrdreg s19  }
0x18: {  	s1 =	ssub.s32 s20, s4;
	s22 =	sadd.s32 $0x7000, s7;
	[dreg:$0x11] =	wrdreg s21  }
0x19: {  	s5 =	sadd.s32 $0x100, s2;
	s23 =	sadd.s32 $0x7800, s7;
	[dreg:$0x12] =	wrdreg s22  }
0x1a: {  	s20 =	simm.s32 $0x13900;
	s24 =	sadd.s32 $0x7C00, s7;
	[dreg:$0x13] =	wrdreg s23  }
0x1b: {  	s7 =	sadd.s32 $0x300, s2;
	s0 =	simm.s32 $0xB;
	[dreg:$0x14] =	wrdreg s24  }
0x1c: {  	s8 =	smax.u32 s1, $0x1;
	s14 =	simm.s32 $0x1;
	s21 =	simm.s32 $0x2  }
0x1d: {  	v2 =	vlaneseq.u32;
	s22 =	simm.s32 $0x7;
	s23 =	simm.s32 $0x3;
	s24 =	simm.s32 $0x8  }
0x1e: {  	vm0 =	vmmov $0xffff;
	v1 =	vshrl.u32 v2, $0x3;
	s18 =	simm.s32 $0x100;
	s19 =	simm.s32 $0xC100;
	s9 =	simm.s32 $0x10100  }
0x1f: {  	v0 =	vand.u32 $0x7, v2;
	v2 =	vor.u32 $0x8, v2;
	v1 =	vmul.u32 $0x8, v1;
	s16 =	simm.s32 $0x12900;
	s17 =	simm.s32 $0x13100;
	s15 =	simm.s32 $0x14100  }
.LBB2_1:
0x20: {  	s4 =	rddreg [dreg:$0x4]  }
0x21: {  	s11 =	rddreg [dreg:$0x15]  }
0x22: {  	s12 =	rddreg [dreg:$0x16]  }
0x23: {  	[tilespmem:s3], [sflag:$0xD] =	stream.strided.gather [hbm4b:s4+s11], $0x100, s12, s11, $0x38;
	[tilespmem:$0x18100] =	vst v63  }
0x24: {  	s11 =	simm.s32 $0xD  }
0x25: {  	_ =	swait.ge [sflag:s11], $0x100  }
0x26: {  	[sflag:s11] =	ssyncset.done $0x0  }
0x27: {  	[sflag:s11] =	ssyncadd.s32 $0xFFFFFF00  }
0x28: {  	v3 =	vld [tilespmem:$0x0];
	_ =	sdelay $0x4  }
0x29: {  	v4 =	vshll.u32 v3, $0x3  }
0x2a: {  	v3 =	vand.u32 $0x7, v3;
	v4 =	vand.u32 $0xFFFFFFC0, v4  }
0x2b: {  	v3 =	vor.u32 v3, v4  }
0x2c: {  	v4 =	vperm.xlane v3, v0;
	_ =	sdelay $0x1  }
0x2d: {  	v4 =	vadd.s32 v1, v4;
	_ =	sdelay $0x4  }
0x2e: {  	[tilespmem:s18], [sflag:$0x1] =	stream.indirect_vreg.gather [hbm4b:s2+s3], $0x80, v4, vm0, $0xb8;
	[tilespmem:$0x18100] =	vst v63  }
0x2f: {  	s1 =	simm.s32 $0x900;
	v3 =	vperm.xlane v3, v2  }
0x30: {  	[tilespmem:s1], [sflag:$0x1] =	stream.indirect_vreg.gather [hbm4b:s5+s3], $0x80, v4, vm0, $0xb8;
	[tilespmem:$0x18100] =	vst v63  }
0x31: {  	s12 =	simm.s32 $0x1100;
	v3 =	vadd.s32 v1, v3  }
0x32: {  	[tilespmem:s12], [sflag:$0x1] =	stream.indirect_vreg.gather [hbm4b:s6+s3], $0x80, v4, vm0, $0xb8;
	[tilespmem:$0x18100] =	vst v63  }
0x33: {  	s13 =	simm.s32 $0x1900  }
0x34: {  	[tilespmem:s13], [sflag:$0x1] =	stream.indirect_vreg.gather [hbm4b:s7+s3], $0x80, v4, vm0, $0xb8;
	[tilespmem:$0x18100] =	vst v63  }
0x35: {  	s4 =	simm.s32 $0x2100  }
0x36: {  	[tilespmem:s4], [sflag:$0x1] =	stream.indirect_vreg.gather [hbm4b:s2+s3], $0x80, v3, vm0, $0xb8;
	[tilespmem:$0x18100] =	vst v63  }
0x37: {  	s10 =	simm.s32 $0x2900  }
0x38: {  	[tilespmem:s10], [sflag:$0x1] =	stream.indirect_vreg.gather [hbm4b:s5+s3], $0x80, v3, vm0, $0xb8;
	[tilespmem:$0x18100] =	vst v63  }
0x39: {  	s11 =	simm.s32 $0x3100  }
0x3a: {  	[tilespmem:s11], [sflag:$0x1] =	stream.indirect_vreg.gather [hbm4b:s6+s3], $0x80, v3, vm0, $0xb8;
	[tilespmem:$0x18100] =	vst v63  }
0x3b: {  	s12 =	simm.s32 $0x3900  }
0x3c: {  	[tilespmem:s12], [sflag:$0x1] =	stream.indirect_vreg.gather [hbm4b:s7+s3], $0x80, v3, vm0, $0xb8;
	[tilespmem:$0x18100] =	vst v63  }
0x3d: {  	v3 =	vld [tilespmem:$0x10];
	_ =	sdelay $0x4  }
0x3e: {  	v48 =	vshll.u32 v3, $0x3  }
0x3f: {  	v3 =	vand.u32 $0x7, v3;
	v4 =	vand.u32 $0xFFFFFFC0, v48  }
0x40: {  	v3 =	vor.u32 v3, v4  }
0x41: {  	v4 =	vperm.xlane v3, v0;
	_ =	sdelay $0x1  }
0x42: {  	v4 =	vadd.s32 v1, v4;
	_ =	sdelay $0x4  }
0x43: {  	[tilespmem:s26], [sflag:$0x2] =	stream.indirect_vreg.gather [hbm4b:s2+s3], $0x80, v4, vm0, $0xb8;
	[tilespmem:$0x18100] =	vst v63  }
0x44: {  	s13 =	simm.s32 $0x4900;
	v3 =	vperm.xlane v3, v2  }
0x45: {  	[tilespmem:s13], [sflag:$0x2] =	stream.indirect_vreg.gather [hbm4b:s5+s3], $0x80, v4, vm0, $0xb8;
	[tilespmem:$0x18100] =	vst v63  }
0x46: {  	s4 =	simm.s32 $0x5100;
	v3 =	vadd.s32 v1, v3  }
0x47: {  	[tilespmem:s4], [sflag:$0x2] =	stream.indirect_vreg.gather [hbm4b:s6+s3], $0x80, v4, vm0, $0xb8;
	[tilespmem:$0x18100] =	vst v63  }
0x48: {  	s10 =	simm.s32 $0x5900  }
0x49: {  	[tilespmem:s10], [sflag:$0x2] =	stream.indirect_vreg.gather [hbm4b:s7+s3], $0x80, v4, vm0, $0xb8;
	[tilespmem:$0x18100] =	vst v63  }
0x4a: {  	s11 =	simm.s32 $0x6100  }
0x4b: {  	[tilespmem:s11], [sflag:$0x2] =	stream.indirect_vreg.gather [hbm4b:s2+s3], $0x80, v3, vm0, $0xb8;
	[tilespmem:$0x18100] =	vst v63  }
0x4c: {  	s12 =	simm.s32 $0x6900  }
0x4d: {  	[tilespmem:s12], [sflag:$0x2] =	stream.indirect_vreg.gather [hbm4b:s5+s3], $0x80, v3, vm0, $0xb8;
	[tilespmem:$0x18100] =	vst v63  }
0x4e: {  	s13 =	simm.s32 $0x7100  }
0x4f: {  	[tilespmem:s13], [sflag:$0x2] =	stream.indirect_vreg.gather [hbm4b:s6+s3], $0x80, v3, vm0, $0xb8;
	[tilespmem:$0x18100] =	vst v63  }
0x50: {  	s4 =	simm.s32 $0x7900  }
0x51: {  	[tilespmem:s4], [sflag:$0x2] =	stream.indirect_vreg.gather [hbm4b:s7+s3], $0x80, v3, vm0, $0xb8;
	[tilespmem:$0x18100] =	vst v63  }
0x52: {  	v3 =	vld [tilespmem:$0x20];
	_ =	sdelay $0x4  }
0x53: {  	v49 =	vshll.u32 v3, $0x3  }
0x54: {  	v3 =	vand.u32 $0x7, v3;
	v4 =	vand.u32 $0xFFFFFFC0, v49  }
0x55: {  	v3 =	vor.u32 v3, v4  }
0x56: {  	v4 =	vperm.xlane v3, v0;
	_ =	sdelay $0x1  }
0x57: {  	v4 =	vadd.s32 v1, v4;
	_ =	sdelay $0x3  }
0x58: {  	s1 =	simm.s32 $0x8100  }
0x59: {  	[tilespmem:s1], [sflag:$0x3] =	stream.indirect_vreg.gather [hbm4b:s2+s3], $0x80, v4, vm0, $0xb8;
	[tilespmem:$0x18100] =	vst v63  }
0x5a: {  	s10 =	simm.s32 $0x8900;
	v3 =	vperm.xlane v3, v2  }
0x5b: {  	[tilespmem:s10], [sflag:$0x3] =	stream.indirect_vreg.gather [hbm4b:s5+s3], $0x80, v4, vm0, $0xb8;
	[tilespmem:$0x18100] =	vst v63  }
0x5c: {  	s11 =	simm.s32 $0x9100;
	v3 =	vadd.s32 v1, v3  }
0x5d: {  	[tilespmem:s11], [sflag:$0x3] =	stream.indirect_vreg.gather [hbm4b:s6+s3], $0x80, v4, vm0, $0xb8;
	[tilespmem:$0x18100] =	vst v63  }
0x5e: {  	s12 =	simm.s32 $0x9900  }
0x5f: {  	[tilespmem:s12], [sflag:$0x3] =	stream.indirect_vreg.gather [hbm4b:s7+s3], $0x80, v4, vm0, $0xb8;
	[tilespmem:$0x18100] =	vst v63  }
0x60: {  	s13 =	simm.s32 $0xA100  }
0x61: {  	[tilespmem:s13], [sflag:$0x3] =	stream.indirect_vreg.gather [hbm4b:s2+s3], $0x80, v3, vm0, $0xb8;
	[tilespmem:$0x18100] =	vst v63  }
0x62: {  	s10 =	simm.s32 $0xA900  }
0x63: {  	[tilespmem:s10], [sflag:$0x3] =	stream.indirect_vreg.gather [hbm4b:s5+s3], $0x80, v3, vm0, $0xb8;
	[tilespmem:$0x18100] =	vst v63  }
0x64: {  	s11 =	simm.s32 $0xB100  }
0x65: {  	[tilespmem:s11], [sflag:$0x3] =	stream.indirect_vreg.gather [hbm4b:s6+s3], $0x80, v3, vm0, $0xb8;
	[tilespmem:$0x18100] =	vst v63  }
0x66: {  	s12 =	simm.s32 $0xB900  }
0x67: {  	[tilespmem:s12], [sflag:$0x3] =	stream.indirect_vreg.gather [hbm4b:s7+s3], $0x80, v3, vm0, $0xb8;
	[tilespmem:$0x18100] =	vst v63  }
0x68: {  	v3 =	vld [tilespmem:$0x30];
	_ =	sdelay $0x4  }
0x69: {  	v50 =	vshll.u32 v3, $0x3  }
0x6a: {  	v3 =	vand.u32 $0x7, v3;
	v4 =	vand.u32 $0xFFFFFFC0, v50  }
0x6b: {  	v3 =	vor.u32 v3, v4  }
0x6c: {  	v4 =	vperm.xlane v3, v0;
	_ =	sdelay $0x1  }
0x6d: {  	v4 =	vadd.s32 v1, v4;
	_ =	sdelay $0x4  }
0x6e: {  	[tilespmem:s19], [sflag:$0x4] =	stream.indirect_vreg.gather [hbm4b:s2+s3], $0x80, v4, vm0, $0xb8;
	[tilespmem:$0x18100] =	vst v63  }
0x6f: {  	s13 =	simm.s32 $0xC900;
	v3 =	vperm.xlane v3, v2  }
0x70: {  	[tilespmem:s13], [sflag:$0x4] =	stream.indirect_vreg.gather [hbm4b:s5+s3], $0x80, v4, vm0, $0xb8;
	[tilespmem:$0x18100] =	vst v63  }
0x71: {  	s10 =	simm.s32 $0xD100;
	v3 =	vadd.s32 v1, v3  }
0x72: {  	[tilespmem:s10], [sflag:$0x4] =	stream.indirect_vreg.gather [hbm4b:s6+s3], $0x80, v4, vm0, $0xb8;
	[tilespmem:$0x18100] =	vst v63  }
0x73: {  	s11 =	simm.s32 $0xD900  }
0x74: {  	[tilespmem:s11], [sflag:$0x4] =	stream.indirect_vreg.gather [hbm4b:s7+s3], $0x80, v4, vm0, $0xb8;
	[tilespmem:$0x18100] =	vst v63  }
0x75: {  	s10 =	simm.s32 $0xE100  }
0x76: {  	[tilespmem:s10], [sflag:$0x4] =	stream.indirect_vreg.gather [hbm4b:s2+s3], $0x80, v3, vm0, $0xb8;
	[tilespmem:$0x18100] =	vst v63  }
0x77: {  	s11 =	simm.s32 $0xE900  }
0x78: {  	[tilespmem:s11], [sflag:$0x4] =	stream.indirect_vreg.gather [hbm4b:s5+s3], $0x80, v3, vm0, $0xb8;
	[tilespmem:$0x18100] =	vst v63  }
0x79: {  	s12 =	simm.s32 $0xF100  }
0x7a: {  	[tilespmem:s12], [sflag:$0x4] =	stream.indirect_vreg.gather [hbm4b:s6+s3], $0x80, v3, vm0, $0xb8;
	[tilespmem:$0x18100] =	vst v63  }
0x7b: {  	s13 =	simm.s32 $0xF900  }
0x7c: {  	[tilespmem:s13], [sflag:$0x4] =	stream.indirect_vreg.gather [hbm4b:s7+s3], $0x80, v3, vm0, $0xb8;
	[tilespmem:$0x18100] =	vst v63  }
0x7d: {  	v3 =	vld [tilespmem:$0x40];
	_ =	sdelay $0x4  }
0x7e: {  	v51 =	vshll.u32 v3, $0x3  }
0x7f: {  	v3 =	vand.u32 $0x7, v3;
	v4 =	vand.u32 $0xFFFFFFC0, v51  }
0x80: {  	v3 =	vor.u32 v3, v4  }
0x81: {  	v4 =	vperm.xlane v3, v0;
	_ =	sdelay $0x1  }
0x82: {  	v4 =	vadd.s32 v1, v4;
	_ =	sdelay $0x4  }
0x83: {  	[tilespmem:s9], [sflag:$0x5] =	stream.indirect_vreg.gather [hbm4b:s2+s3], $0x80, v4, vm0, $0xb8;
	[tilespmem:$0x18100] =	vst v63  }
0x84: {  	s4 =	simm.s32 $0x10900;
	v3 =	vperm.xlane v3, v2  }
0x85: {  	[tilespmem:s4], [sflag:$0x5] =	stream.indirect_vreg.gather [hbm4b:s5+s3], $0x80, v4, vm0, $0xb8;
	[tilespmem:$0x18100] =	vst v63  }
0x86: {  	v3 =	vadd.s32 v1, v3;
	s4 =	simm.s32 $0x11100  }
0x87: {  	[tilespmem:s4], [sflag:$0x5] =	stream.indirect_vreg.gather [hbm4b:s6+s3], $0x80, v4, vm0, $0xb8;
	[tilespmem:$0x18100] =	vst v63  }
0x88: {  	s4 =	simm.s32 $0x11900  }
0x89: {  	[tilespmem:s4], [sflag:$0x5] =	stream.indirect_vreg.gather [hbm4b:s7+s3], $0x80, v4, vm0, $0xb8;
	[tilespmem:$0x18100] =	vst v63  }
0x8a: {  	_ = 	snop  }
0x8b: {  	[tilespmem:s31], [sflag:$0x5] =	stream.indirect_vreg.gather [hbm4b:s2+s3], $0x80, v3, vm0, $0xb8;
	[tilespmem:$0x18100] =	vst v63  }
0x8c: {  	_ = 	snop  }
0x8d: {  	[tilespmem:s16], [sflag:$0x5] =	stream.indirect_vreg.gather [hbm4b:s5+s3], $0x80, v3, vm0, $0xb8;
	[tilespmem:$0x18100] =	vst v63  }
0x8e: {  	_ = 	snop  }
0x8f: {  	[tilespmem:s17], [sflag:$0x5] =	stream.indirect_vreg.gather [hbm4b:s6+s3], $0x80, v3, vm0, $0xb8;
	[tilespmem:$0x18100] =	vst v63  }
0x90: {  	_ = 	snop  }
0x91: {  	[tilespmem:s20], [sflag:$0x5] =	stream.indirect_vreg.gather [hbm4b:s7+s3], $0x80, v3, vm0, $0xb8;
	[tilespmem:$0x18100] =	vst v63  }
0x92: {  	_ =	swait.ge [sflag:s14], $0x4000  }
0x93: {  	[sflag:s14] =	ssyncset.done $0x0  }
0x94: {  	s4 =	rddreg [dreg:$0x17];
	[sflag:s14] =	ssyncadd.s32 $0xFFFFC000  }
0x95: {  	[hbm4b:s4+s3] =	stream.linear.scatter [tilespmem:s18], [sflag:$0x7], $0x4000, $0x38;
	[tilespmem:$0x18100] =	vst v63  }
0x96: {  	v3 =	vld [tilespmem:$0x50];
	_ =	sdelay $0x4  }
0x97: {  	v52 =	vshll.u32 v3, $0x3  }
0x98: {  	v3 =	vand.u32 $0x7, v3;
	v4 =	vand.u32 $0xFFFFFFC0, v52  }
0x99: {  	v3 =	vor.u32 v3, v4  }
0x9a: {  	v4 =	vperm.xlane v3, v0;
	_ =	sdelay $0x1  }
0x9b: {  	v4 =	vadd.s32 v1, v4;
	_ =	sdelay $0x4  }
0x9c: {  	[tilespmem:s15], [sflag:$0x6] =	stream.indirect_vreg.gather [hbm4b:s2+s3], $0x80, v4, vm0, $0xb8;
	[tilespmem:$0x18100] =	vst v63  }
0x9d: {  	s4 =	simm.s32 $0x14900;
	v3 =	vperm.xlane v3, v2  }
0x9e: {  	[tilespmem:s4], [sflag:$0x6] =	stream.indirect_vreg.gather [hbm4b:s5+s3], $0x80, v4, vm0, $0xb8;
	[tilespmem:$0x18100] =	vst v63  }
0x9f: {  	v3 =	vadd.s32 v1, v3;
	s4 =	simm.s32 $0x15100  }
0xa0: {  	[tilespmem:s4], [sflag:$0x6] =	stream.indirect_vreg.gather [hbm4b:s6+s3], $0x80, v4, vm0, $0xb8;
	[tilespmem:$0x18100] =	vst v63  }
0xa1: {  	s4 =	simm.s32 $0x15900  }
0xa2: {  	[tilespmem:s4], [sflag:$0x6] =	stream.indirect_vreg.gather [hbm4b:s7+s3], $0x80, v4, vm0, $0xb8;
	[tilespmem:$0x18100] =	vst v63  }
0xa3: {  	s4 =	simm.s32 $0x16100  }
0xa4: {  	[tilespmem:s4], [sflag:$0x6] =	stream.indirect_vreg.gather [hbm4b:s2+s3], $0x80, v3, vm0, $0xb8;
	[tilespmem:$0x18100] =	vst v63  }
0xa5: {  	s4 =	simm.s32 $0x16900  }
0xa6: {  	[tilespmem:s4], [sflag:$0x6] =	stream.indirect_vreg.gather [hbm4b:s5+s3], $0x80, v3, vm0, $0xb8;
	[tilespmem:$0x18100] =	vst v63  }
0xa7: {  	s4 =	simm.s32 $0x17100  }
0xa8: {  	[tilespmem:s4], [sflag:$0x6] =	stream.indirect_vreg.gather [hbm4b:s6+s3], $0x80, v3, vm0, $0xb8;
	[tilespmem:$0x18100] =	vst v63  }
0xa9: {  	s4 =	simm.s32 $0x17900  }
0xaa: {  	[tilespmem:s4], [sflag:$0x6] =	stream.indirect_vreg.gather [hbm4b:s7+s3], $0x80, v3, vm0, $0xb8;
	[tilespmem:$0x18100] =	vst v63  }
0xab: {  	_ =	swait.ge [sflag:s21], $0x4000  }
0xac: {  	[sflag:s21] =	ssyncset.done $0x0  }
0xad: {  	s4 =	rddreg [dreg:$0x5];
	[sflag:s21] =	ssyncadd.s32 $0xFFFFC000  }
0xae: {  	[hbm4b:s4+s3] =	stream.linear.scatter [tilespmem:s26], [sflag:$0x8], $0x4000, $0x38;
	[tilespmem:$0x18100] =	vst v63  }
0xaf: {  	_ =	swait.ge [sflag:s22], $0x4000  }
0xb0: {  	[sflag:s22] =	ssyncset.done $0x0  }
0xb1: {  	[sflag:s22] =	ssyncadd.s32 $0xFFFFC000  }
0xb2: {  	v3 =	vld [tilespmem:$0x60];
	_ =	sdelay $0x4  }
0xb3: {  	v53 =	vshll.u32 v3, $0x3  }
0xb4: {  	v3 =	vand.u32 $0x7, v3;
	v4 =	vand.u32 $0xFFFFFFC0, v53  }
0xb5: {  	v3 =	vor.u32 v3, v4  }
0xb6: {  	v4 =	vperm.xlane v3, v0;
	_ =	sdelay $0x1  }
0xb7: {  	v4 =	vadd.s32 v1, v4;
	_ =	sdelay $0x4  }
0xb8: {  	[tilespmem:s18], [sflag:$0x1] =	stream.indirect_vreg.gather [hbm4b:s2+s3], $0x80, v4, vm0, $0xb8;
	[tilespmem:$0x18100] =	vst v63  }
0xb9: {  	s4 =	simm.s32 $0x900;
	v3 =	vperm.xlane v3, v2  }
0xba: {  	[tilespmem:s4], [sflag:$0x1] =	stream.indirect_vreg.gather [hbm4b:s5+s3], $0x80, v4, vm0, $0xb8;
	[tilespmem:$0x18100] =	vst v63  }
0xbb: {  	v3 =	vadd.s32 v1, v3;
	s4 =	simm.s32 $0x1100  }
0xbc: {  	[tilespmem:s4], [sflag:$0x1] =	stream.indirect_vreg.gather [hbm4b:s6+s3], $0x80, v4, vm0, $0xb8;
	[tilespmem:$0x18100] =	vst v63  }
0xbd: {  	s4 =	simm.s32 $0x1900  }
0xbe: {  	[tilespmem:s4], [sflag:$0x1] =	stream.indirect_vreg.gather [hbm4b:s7+s3], $0x80, v4, vm0, $0xb8;
	[tilespmem:$0x18100] =	vst v63  }
0xbf: {  	s4 =	simm.s32 $0x2100  }
0xc0: {  	[tilespmem:s4], [sflag:$0x1] =	stream.indirect_vreg.gather [hbm4b:s2+s3], $0x80, v3, vm0, $0xb8;
	[tilespmem:$0x18100] =	vst v63  }
0xc1: {  	s4 =	simm.s32 $0x2900  }
0xc2: {  	[tilespmem:s4], [sflag:$0x1] =	stream.indirect_vreg.gather [hbm4b:s5+s3], $0x80, v3, vm0, $0xb8;
	[tilespmem:$0x18100] =	vst v63  }
0xc3: {  	s4 =	simm.s32 $0x3100  }
0xc4: {  	[tilespmem:s4], [sflag:$0x1] =	stream.indirect_vreg.gather [hbm4b:s6+s3], $0x80, v3, vm0, $0xb8;
	[tilespmem:$0x18100] =	vst v63  }
0xc5: {  	s4 =	simm.s32 $0x3900  }
0xc6: {  	[tilespmem:s4], [sflag:$0x1] =	stream.indirect_vreg.gather [hbm4b:s7+s3], $0x80, v3, vm0, $0xb8;
	[tilespmem:$0x18100] =	vst v63  }
0xc7: {  	_ =	swait.ge [sflag:s23], $0x4000  }
0xc8: {  	[sflag:s23] =	ssyncset.done $0x0  }
0xc9: {  	s4 =	rddreg [dreg:$0x6];
	[sflag:s23] =	ssyncadd.s32 $0xFFFFC000  }
0xca: {  	[hbm4b:s4+s3] =	stream.linear.scatter [tilespmem:s1], [sflag:$0x9], $0x4000, $0x38;
	[tilespmem:$0x18100] =	vst v63  }
0xcb: {  	_ =	swait.ge [sflag:s24], $0x4000  }
0xcc: {  	[sflag:s24] =	ssyncset.done $0x0  }
0xcd: {  	[sflag:s24] =	ssyncadd.s32 $0xFFFFC000  }
0xce: {  	v3 =	vld [tilespmem:$0x70];
	_ =	sdelay $0x4  }
0xcf: {  	v54 =	vshll.u32 v3, $0x3  }
0xd0: {  	v3 =	vand.u32 $0x7, v3;
	v4 =	vand.u32 $0xFFFFFFC0, v54  }
0xd1: {  	v3 =	vor.u32 v3, v4  }
0xd2: {  	v4 =	vperm.xlane v3, v0;
	_ =	sdelay $0x1  }
0xd3: {  	v4 =	vadd.s32 v1, v4;
	_ =	sdelay $0x4  }
0xd4: {  	[tilespmem:s26], [sflag:$0x2] =	stream.indirect_vreg.gather [hbm4b:s2+s3], $0x80, v4, vm0, $0xb8;
	[tilespmem:$0x18100] =	vst v63  }
0xd5: {  	s4 =	simm.s32 $0x4900;
	v3 =	vperm.xlane v3, v2  }
0xd6: {  	[tilespmem:s4], [sflag:$0x2] =	stream.indirect_vreg.gather [hbm4b:s5+s3], $0x80, v4, vm0, $0xb8;
	[tilespmem:$0x18100] =	vst v63  }
0xd7: {  	v3 =	vadd.s32 v1, v3;
	s4 =	simm.s32 $0x5100  }
0xd8: {  	[tilespmem:s4], [sflag:$0x2] =	stream.indirect_vreg.gather [hbm4b:s6+s3], $0x80, v4, vm0, $0xb8;
	[tilespmem:$0x18100] =	vst v63  }
0xd9: {  	s4 =	simm.s32 $0x5900  }
0xda: {  	[tilespmem:s4], [sflag:$0x2] =	stream.indirect_vreg.gather [hbm4b:s7+s3], $0x80, v4, vm0, $0xb8;
	[tilespmem:$0x18100] =	vst v63  }
0xdb: {  	s4 =	simm.s32 $0x6100  }
0xdc: {  	[tilespmem:s4], [sflag:$0x2] =	stream.indirect_vreg.gather [hbm4b:s2+s3], $0x80, v3, vm0, $0xb8;
	[tilespmem:$0x18100] =	vst v63  }
0xdd: {  	s4 =	simm.s32 $0x6900  }
0xde: {  	[tilespmem:s4], [sflag:$0x2] =	stream.indirect_vreg.gather [hbm4b:s5+s3], $0x80, v3, vm0, $0xb8;
	[tilespmem:$0x18100] =	vst v63  }
0xdf: {  	s4 =	simm.s32 $0x7100  }
0xe0: {  	[tilespmem:s4], [sflag:$0x2] =	stream.indirect_vreg.gather [hbm4b:s6+s3], $0x80, v3, vm0, $0xb8;
	[tilespmem:$0x18100] =	vst v63  }
0xe1: {  	s4 =	simm.s32 $0x7900  }
0xe2: {  	[tilespmem:s4], [sflag:$0x2] =	stream.indirect_vreg.gather [hbm4b:s7+s3], $0x80, v3, vm0, $0xb8;
	[tilespmem:$0x18100] =	vst v63  }
0xe3: {  	_ =	swait.ge [sflag:s25], $0x4000  }
0xe4: {  	[sflag:s25] =	ssyncset.done $0x0  }
0xe5: {  	s4 =	rddreg [dreg:$0x7];
	[sflag:s25] =	ssyncadd.s32 $0xFFFFC000  }
0xe6: {  	[hbm4b:s4+s3] =	stream.linear.scatter [tilespmem:s19], [sflag:$0xA], $0x4000, $0x38;
	[tilespmem:$0x18100] =	vst v63  }
0xe7: {  	_ =	swait.ge [sflag:s28], $0x4000  }
0xe8: {  	[sflag:s28] =	ssyncset.done $0x0  }
0xe9: {  	[sflag:s28] =	ssyncadd.s32 $0xFFFFC000  }
0xea: {  	v3 =	vld [tilespmem:$0x80];
	_ =	sdelay $0x4  }
0xeb: {  	v55 =	vshll.u32 v3, $0x3  }
0xec: {  	v3 =	vand.u32 $0x7, v3;
	v4 =	vand.u32 $0xFFFFFFC0, v55  }
0xed: {  	v3 =	vor.u32 v3, v4  }
0xee: {  	v4 =	vperm.xlane v3, v0;
	_ =	sdelay $0x1  }
0xef: {  	v4 =	vadd.s32 v1, v4;
	_ =	sdelay $0x4  }
0xf0: {  	[tilespmem:s1], [sflag:$0x3] =	stream.indirect_vreg.gather [hbm4b:s2+s3], $0x80, v4, vm0, $0xb8;
	[tilespmem:$0x18100] =	vst v63  }
0xf1: {  	s4 =	simm.s32 $0x8900;
	v3 =	vperm.xlane v3, v2  }
0xf2: {  	[tilespmem:s4], [sflag:$0x3] =	stream.indirect_vreg.gather [hbm4b:s5+s3], $0x80, v4, vm0, $0xb8;
	[tilespmem:$0x18100] =	vst v63  }
0xf3: {  	v3 =	vadd.s32 v1, v3;
	s4 =	simm.s32 $0x9100  }
0xf4: {  	[tilespmem:s4], [sflag:$0x3] =	stream.indirect_vreg.gather [hbm4b:s6+s3], $0x80, v4, vm0, $0xb8;
	[tilespmem:$0x18100] =	vst v63  }
0xf5: {  	s4 =	simm.s32 $0x9900  }
0xf6: {  	[tilespmem:s4], [sflag:$0x3] =	stream.indirect_vreg.gather [hbm4b:s7+s3], $0x80, v4, vm0, $0xb8;
	[tilespmem:$0x18100] =	vst v63  }
0xf7: {  	s4 =	simm.s32 $0xA100  }
0xf8: {  	[tilespmem:s4], [sflag:$0x3] =	stream.indirect_vreg.gather [hbm4b:s2+s3], $0x80, v3, vm0, $0xb8;
	[tilespmem:$0x18100] =	vst v63  }
0xf9: {  	s4 =	simm.s32 $0xA900  }
0xfa: {  	[tilespmem:s4], [sflag:$0x3] =	stream.indirect_vreg.gather [hbm4b:s5+s3], $0x80, v3, vm0, $0xb8;
	[tilespmem:$0x18100] =	vst v63  }
0xfb: {  	s4 =	simm.s32 $0xB100  }
0xfc: {  	[tilespmem:s4], [sflag:$0x3] =	stream.indirect_vreg.gather [hbm4b:s6+s3], $0x80, v3, vm0, $0xb8;
	[tilespmem:$0x18100] =	vst v63  }
0xfd: {  	s4 =	simm.s32 $0xB900  }
0xfe: {  	[tilespmem:s4], [sflag:$0x3] =	stream.indirect_vreg.gather [hbm4b:s7+s3], $0x80, v3, vm0, $0xb8;
	[tilespmem:$0x18100] =	vst v63  }
0xff: {  	_ =	swait.ge [sflag:s29], $0x4000  }
0x100: {  	[sflag:s29] =	ssyncset.done $0x0  }
0x101: {  	s4 =	rddreg [dreg:$0x8];
	[sflag:s29] =	ssyncadd.s32 $0xFFFFC000  }
0x102: {  	[hbm4b:s4+s3] =	stream.linear.scatter [tilespmem:s9], [sflag:$0xB], $0x4000, $0x38;
	[tilespmem:$0x18100] =	vst v63  }
0x103: {  	_ =	swait.ge [sflag:s30], $0x4000  }
0x104: {  	[sflag:s30] =	ssyncset.done $0x0  }
0x105: {  	[sflag:s30] =	ssyncadd.s32 $0xFFFFC000  }
0x106: {  	v3 =	vld [tilespmem:$0x90];
	_ =	sdelay $0x4  }
0x107: {  	v56 =	vshll.u32 v3, $0x3  }
0x108: {  	v3 =	vand.u32 $0x7, v3;
	v4 =	vand.u32 $0xFFFFFFC0, v56  }
0x109: {  	v3 =	vor.u32 v3, v4  }
0x10a: {  	v4 =	vperm.xlane v3, v0;
	_ =	sdelay $0x1  }
0x10b: {  	v4 =	vadd.s32 v1, v4;
	_ =	sdelay $0x4  }
0x10c: {  	[tilespmem:s19], [sflag:$0x4] =	stream.indirect_vreg.gather [hbm4b:s2+s3], $0x80, v4, vm0, $0xb8;
	[tilespmem:$0x18100] =	vst v63  }
0x10d: {  	s4 =	simm.s32 $0xC900;
	v3 =	vperm.xlane v3, v2  }
0x10e: {  	[tilespmem:s4], [sflag:$0x4] =	stream.indirect_vreg.gather [hbm4b:s5+s3], $0x80, v4, vm0, $0xb8;
	[tilespmem:$0x18100] =	vst v63  }
0x10f: {  	v3 =	vadd.s32 v1, v3;
	s4 =	simm.s32 $0xD100  }
0x110: {  	[tilespmem:s4], [sflag:$0x4] =	stream.indirect_vreg.gather [hbm4b:s6+s3], $0x80, v4, vm0, $0xb8;
	[tilespmem:$0x18100] =	vst v63  }
0x111: {  	s4 =	simm.s32 $0xD900  }
0x112: {  	[tilespmem:s4], [sflag:$0x4] =	stream.indirect_vreg.gather [hbm4b:s7+s3], $0x80, v4, vm0, $0xb8;
	[tilespmem:$0x18100] =	vst v63  }
0x113: {  	_ = 	snop  }
0x114: {  	[tilespmem:s10], [sflag:$0x4] =	stream.indirect_vreg.gather [hbm4b:s2+s3], $0x80, v3, vm0, $0xb8;
	[tilespmem:$0x18100] =	vst v63  }
0x115: {  	_ = 	snop  }
0x116: {  	[tilespmem:s11], [sflag:$0x4] =	stream.indirect_vreg.gather [hbm4b:s5+s3], $0x80, v3, vm0, $0xb8;
	[tilespmem:$0x18100] =	vst v63  }
0x117: {  	_ = 	snop  }
0x118: {  	[tilespmem:s12], [sflag:$0x4] =	stream.indirect_vreg.gather [hbm4b:s6+s3], $0x80, v3, vm0, $0xb8;
	[tilespmem:$0x18100] =	vst v63  }
0x119: {  	s10 =	simm.s32 $0x6  }
0x11a: {  	[tilespmem:s13], [sflag:$0x4] =	stream.indirect_vreg.gather [hbm4b:s7+s3], $0x80, v3, vm0, $0xb8;
	[tilespmem:$0x18100] =	vst v63  }
0x11b: {  	_ =	swait.ge [sflag:s10], $0x4000  }
0x11c: {  	[sflag:s10] =	ssyncset.done $0x0  }
0x11d: {  	s12 =	rddreg [dreg:$0x9];
	[sflag:s10] =	ssyncadd.s32 $0xFFFFC000  }
0x11e: {  	[hbm4b:s12+s3] =	stream.linear.scatter [tilespmem:s15], [sflag:$0xC], $0x4000, $0x38;
	[tilespmem:$0x18100] =	vst v63  }
0x11f: {  	_ =	swait.ge [sflag:s0], $0x4000  }
0x120: {  	[sflag:s0] =	ssyncset.done $0x0  }
0x121: {  	[sflag:s0] =	ssyncadd.s32 $0xFFFFC000  }
0x122: {  	v3 =	vld [tilespmem:$0xA0];
	_ =	sdelay $0x4  }
0x123: {  	v57 =	vshll.u32 v3, $0x3  }
0x124: {  	v3 =	vand.u32 $0x7, v3;
	v4 =	vand.u32 $0xFFFFFFC0, v57  }
0x125: {  	v3 =	vor.u32 v3, v4  }
0x126: {  	v4 =	vperm.xlane v3, v0;
	_ =	sdelay $0x1  }
0x127: {  	v4 =	vadd.s32 v1, v4;
	_ =	sdelay $0x4  }
0x128: {  	[tilespmem:s9], [sflag:$0x5] =	stream.indirect_vreg.gather [hbm4b:s2+s3], $0x80, v4, vm0, $0xb8;
	[tilespmem:$0x18100] =	vst v63  }
0x129: {  	s13 =	simm.s32 $0x10900;
	v3 =	vperm.xlane v3, v2  }
0x12a: {  	[tilespmem:s13], [sflag:$0x5] =	stream.indirect_vreg.gather [hbm4b:s5+s3], $0x80, v4, vm0, $0xb8;
	[tilespmem:$0x18100] =	vst v63  }
0x12b: {  	s11 =	simm.s32 $0x11100;
	v3 =	vadd.s32 v1, v3  }
0x12c: {  	[tilespmem:s11], [sflag:$0x5] =	stream.indirect_vreg.gather [hbm4b:s6+s3], $0x80, v4, vm0, $0xb8;
	[tilespmem:$0x18100] =	vst v63  }
0x12d: {  	s12 =	simm.s32 $0x11900  }
0x12e: {  	[tilespmem:s12], [sflag:$0x5] =	stream.indirect_vreg.gather [hbm4b:s7+s3], $0x80, v4, vm0, $0xb8;
	[tilespmem:$0x18100] =	vst v63  }
0x12f: {  	_ = 	snop  }
0x130: {  	[tilespmem:s31], [sflag:$0x5] =	stream.indirect_vreg.gather [hbm4b:s2+s3], $0x80, v3, vm0, $0xb8;
	[tilespmem:$0x18100] =	vst v63  }
0x131: {  	_ = 	snop  }
0x132: {  	[tilespmem:s16], [sflag:$0x5] =	stream.indirect_vreg.gather [hbm4b:s5+s3], $0x80, v3, vm0, $0xb8;
	[tilespmem:$0x18100] =	vst v63  }
0x133: {  	_ = 	snop  }
0x134: {  	[tilespmem:s17], [sflag:$0x5] =	stream.indirect_vreg.gather [hbm4b:s6+s3], $0x80, v3, vm0, $0xb8;
	[tilespmem:$0x18100] =	vst v63  }
0x135: {  	_ = 	snop  }
0x136: {  	[tilespmem:s20], [sflag:$0x5] =	stream.indirect_vreg.gather [hbm4b:s7+s3], $0x80, v3, vm0, $0xb8;
	[tilespmem:$0x18100] =	vst v63  }
0x137: {  	_ =	swait.ge [sflag:s14], $0x4000  }
0x138: {  	[sflag:s14] =	ssyncset.done $0x0  }
0x139: {  	s11 =	rddreg [dreg:$0xa];
	[sflag:s14] =	ssyncadd.s32 $0xFFFFC000  }
0x13a: {  	[hbm4b:s11+s3] =	stream.linear.scatter [tilespmem:s18], [sflag:$0x7], $0x4000, $0x38;
	[tilespmem:$0x18100] =	vst v63  }
0x13b: {  	s11 =	simm.s32 $0xC  }
0x13c: {  	_ =	swait.ge [sflag:s11], $0x4000  }
0x13d: {  	[sflag:s11] =	ssyncset.done $0x0  }
0x13e: {  	[sflag:s11] =	ssyncadd.s32 $0xFFFFC000  }
0x13f: {  	v3 =	vld [tilespmem:$0xB0];
	_ =	sdelay $0x4  }
0x140: {  	v58 =	vshll.u32 v3, $0x3  }
0x141: {  	v3 =	vand.u32 $0x7, v3;
	v4 =	vand.u32 $0xFFFFFFC0, v58  }
0x142: {  	v3 =	vor.u32 v3, v4  }
0x143: {  	v4 =	vperm.xlane v3, v0;
	_ =	sdelay $0x1  }
0x144: {  	v4 =	vadd.s32 v1, v4;
	_ =	sdelay $0x4  }
0x145: {  	[tilespmem:s15], [sflag:$0x6] =	stream.indirect_vreg.gather [hbm4b:s2+s3], $0x80, v4, vm0, $0xb8;
	[tilespmem:$0x18100] =	vst v63  }
0x146: {  	s4 =	simm.s32 $0x14900;
	v3 =	vperm.xlane v3, v2  }
0x147: {  	[tilespmem:s4], [sflag:$0x6] =	stream.indirect_vreg.gather [hbm4b:s5+s3], $0x80, v4, vm0, $0xb8;
	[tilespmem:$0x18100] =	vst v63  }
0x148: {  	v3 =	vadd.s32 v1, v3;
	s4 =	simm.s32 $0x15100  }
0x149: {  	[tilespmem:s4], [sflag:$0x6] =	stream.indirect_vreg.gather [hbm4b:s6+s3], $0x80, v4, vm0, $0xb8;
	[tilespmem:$0x18100] =	vst v63  }
0x14a: {  	s4 =	simm.s32 $0x15900  }
0x14b: {  	[tilespmem:s4], [sflag:$0x6] =	stream.indirect_vreg.gather [hbm4b:s7+s3], $0x80, v4, vm0, $0xb8;
	[tilespmem:$0x18100] =	vst v63  }
0x14c: {  	s4 =	simm.s32 $0x16100  }
0x14d: {  	[tilespmem:s4], [sflag:$0x6] =	stream.indirect_vreg.gather [hbm4b:s2+s3], $0x80, v3, vm0, $0xb8;
	[tilespmem:$0x18100] =	vst v63  }
0x14e: {  	s4 =	simm.s32 $0x16900  }
0x14f: {  	[tilespmem:s4], [sflag:$0x6] =	stream.indirect_vreg.gather [hbm4b:s5+s3], $0x80, v3, vm0, $0xb8;
	[tilespmem:$0x18100] =	vst v63  }
0x150: {  	s4 =	simm.s32 $0x17100  }
0x151: {  	[tilespmem:s4], [sflag:$0x6] =	stream.indirect_vreg.gather [hbm4b:s6+s3], $0x80, v3, vm0, $0xb8;
	[tilespmem:$0x18100] =	vst v63  }
0x152: {  	s4 =	simm.s32 $0x17900  }
0x153: {  	[tilespmem:s4], [sflag:$0x6] =	stream.indirect_vreg.gather [hbm4b:s7+s3], $0x80, v3, vm0, $0xb8;
	[tilespmem:$0x18100] =	vst v63  }
0x154: {  	_ =	swait.ge [sflag:s21], $0x4000  }
0x155: {  	[sflag:s21] =	ssyncset.done $0x0  }
0x156: {  	s4 =	rddreg [dreg:$0xb];
	[sflag:s21] =	ssyncadd.s32 $0xFFFFC000  }
0x157: {  	[hbm4b:s4+s3] =	stream.linear.scatter [tilespmem:s26], [sflag:$0x8], $0x4000, $0x38;
	[tilespmem:$0x18100] =	vst v63  }
0x158: {  	_ =	swait.ge [sflag:s22], $0x4000  }
0x159: {  	[sflag:s22] =	ssyncset.done $0x0  }
0x15a: {  	[sflag:s22] =	ssyncadd.s32 $0xFFFFC000  }
0x15b: {  	v3 =	vld [tilespmem:$0xC0];
	_ =	sdelay $0x4  }
0x15c: {  	v59 =	vshll.u32 v3, $0x3  }
0x15d: {  	v3 =	vand.u32 $0x7, v3;
	v4 =	vand.u32 $0xFFFFFFC0, v59  }
0x15e: {  	v3 =	vor.u32 v3, v4  }
0x15f: {  	v4 =	vperm.xlane v3, v0;
	_ =	sdelay $0x1  }
0x160: {  	v4 =	vadd.s32 v1, v4;
	_ =	sdelay $0x4  }
0x161: {  	[tilespmem:s18], [sflag:$0x1] =	stream.indirect_vreg.gather [hbm4b:s2+s3], $0x80, v4, vm0, $0xb8;
	[tilespmem:$0x18100] =	vst v63  }
0x162: {  	s4 =	simm.s32 $0x900;
	v3 =	vperm.xlane v3, v2  }
0x163: {  	[tilespmem:s4], [sflag:$0x1] =	stream.indirect_vreg.gather [hbm4b:s5+s3], $0x80, v4, vm0, $0xb8;
	[tilespmem:$0x18100] =	vst v63  }
0x164: {  	v3 =	vadd.s32 v1, v3;
	s4 =	simm.s32 $0x1100  }
0x165: {  	[tilespmem:s4], [sflag:$0x1] =	stream.indirect_vreg.gather [hbm4b:s6+s3], $0x80, v4, vm0, $0xb8;
	[tilespmem:$0x18100] =	vst v63  }
0x166: {  	s4 =	simm.s32 $0x1900  }
0x167: {  	[tilespmem:s4], [sflag:$0x1] =	stream.indirect_vreg.gather [hbm4b:s7+s3], $0x80, v4, vm0, $0xb8;
	[tilespmem:$0x18100] =	vst v63  }
0x168: {  	s4 =	simm.s32 $0x2100  }
0x169: {  	[tilespmem:s4], [sflag:$0x1] =	stream.indirect_vreg.gather [hbm4b:s2+s3], $0x80, v3, vm0, $0xb8;
	[tilespmem:$0x18100] =	vst v63  }
0x16a: {  	s4 =	simm.s32 $0x2900  }
0x16b: {  	[tilespmem:s4], [sflag:$0x1] =	stream.indirect_vreg.gather [hbm4b:s5+s3], $0x80, v3, vm0, $0xb8;
	[tilespmem:$0x18100] =	vst v63  }
0x16c: {  	s4 =	simm.s32 $0x3100  }
0x16d: {  	[tilespmem:s4], [sflag:$0x1] =	stream.indirect_vreg.gather [hbm4b:s6+s3], $0x80, v3, vm0, $0xb8;
	[tilespmem:$0x18100] =	vst v63  }
0x16e: {  	s4 =	simm.s32 $0x3900  }
0x16f: {  	[tilespmem:s4], [sflag:$0x1] =	stream.indirect_vreg.gather [hbm4b:s7+s3], $0x80, v3, vm0, $0xb8;
	[tilespmem:$0x18100] =	vst v63  }
0x170: {  	_ =	swait.ge [sflag:s23], $0x4000  }
0x171: {  	[sflag:s23] =	ssyncset.done $0x0  }
0x172: {  	s4 =	rddreg [dreg:$0xc];
	[sflag:s23] =	ssyncadd.s32 $0xFFFFC000  }
0x173: {  	[hbm4b:s4+s3] =	stream.linear.scatter [tilespmem:s1], [sflag:$0x9], $0x4000, $0x38;
	[tilespmem:$0x18100] =	vst v63  }
0x174: {  	_ =	swait.ge [sflag:s24], $0x4000  }
0x175: {  	[sflag:s24] =	ssyncset.done $0x0  }
0x176: {  	[sflag:s24] =	ssyncadd.s32 $0xFFFFC000  }
0x177: {  	v3 =	vld [tilespmem:$0xD0];
	_ =	sdelay $0x4  }
0x178: {  	v60 =	vshll.u32 v3, $0x3  }
0x179: {  	v3 =	vand.u32 $0x7, v3;
	v4 =	vand.u32 $0xFFFFFFC0, v60  }
0x17a: {  	v3 =	vor.u32 v3, v4  }
0x17b: {  	v4 =	vperm.xlane v3, v0;
	_ =	sdelay $0x1  }
0x17c: {  	v4 =	vadd.s32 v1, v4;
	_ =	sdelay $0x4  }
0x17d: {  	[tilespmem:s26], [sflag:$0x2] =	stream.indirect_vreg.gather [hbm4b:s2+s3], $0x80, v4, vm0, $0xb8;
	[tilespmem:$0x18100] =	vst v63  }
0x17e: {  	s4 =	simm.s32 $0x4900;
	v3 =	vperm.xlane v3, v2  }
0x17f: {  	[tilespmem:s4], [sflag:$0x2] =	stream.indirect_vreg.gather [hbm4b:s5+s3], $0x80, v4, vm0, $0xb8;
	[tilespmem:$0x18100] =	vst v63  }
0x180: {  	v3 =	vadd.s32 v1, v3;
	s4 =	simm.s32 $0x5100  }
0x181: {  	[tilespmem:s4], [sflag:$0x2] =	stream.indirect_vreg.gather [hbm4b:s6+s3], $0x80, v4, vm0, $0xb8;
	[tilespmem:$0x18100] =	vst v63  }
0x182: {  	s4 =	simm.s32 $0x5900  }
0x183: {  	[tilespmem:s4], [sflag:$0x2] =	stream.indirect_vreg.gather [hbm4b:s7+s3], $0x80, v4, vm0, $0xb8;
	[tilespmem:$0x18100] =	vst v63  }
0x184: {  	s4 =	simm.s32 $0x6100  }
0x185: {  	[tilespmem:s4], [sflag:$0x2] =	stream.indirect_vreg.gather [hbm4b:s2+s3], $0x80, v3, vm0, $0xb8;
	[tilespmem:$0x18100] =	vst v63  }
0x186: {  	s4 =	simm.s32 $0x6900  }
0x187: {  	[tilespmem:s4], [sflag:$0x2] =	stream.indirect_vreg.gather [hbm4b:s5+s3], $0x80, v3, vm0, $0xb8;
	[tilespmem:$0x18100] =	vst v63  }
0x188: {  	s4 =	simm.s32 $0x7100  }
0x189: {  	[tilespmem:s4], [sflag:$0x2] =	stream.indirect_vreg.gather [hbm4b:s6+s3], $0x80, v3, vm0, $0xb8;
	[tilespmem:$0x18100] =	vst v63  }
0x18a: {  	s4 =	simm.s32 $0x7900  }
0x18b: {  	[tilespmem:s4], [sflag:$0x2] =	stream.indirect_vreg.gather [hbm4b:s7+s3], $0x80, v3, vm0, $0xb8;
	[tilespmem:$0x18100] =	vst v63  }
0x18c: {  	_ =	swait.ge [sflag:s25], $0x4000  }
0x18d: {  	[sflag:s25] =	ssyncset.done $0x0  }
0x18e: {  	s4 =	rddreg [dreg:$0xd];
	[sflag:s25] =	ssyncadd.s32 $0xFFFFC000  }
0x18f: {  	[hbm4b:s4+s3] =	stream.linear.scatter [tilespmem:s19], [sflag:$0xA], $0x4000, $0x38;
	[tilespmem:$0x18100] =	vst v63  }
0x190: {  	_ =	swait.ge [sflag:s28], $0x4000  }
0x191: {  	[sflag:s28] =	ssyncset.done $0x0  }
0x192: {  	[sflag:s28] =	ssyncadd.s32 $0xFFFFC000  }
0x193: {  	v3 =	vld [tilespmem:$0xE0];
	_ =	sdelay $0x4  }
0x194: {  	v61 =	vshll.u32 v3, $0x3  }
0x195: {  	v3 =	vand.u32 $0x7, v3;
	v4 =	vand.u32 $0xFFFFFFC0, v61  }
0x196: {  	v3 =	vor.u32 v3, v4  }
0x197: {  	v4 =	vperm.xlane v3, v0;
	_ =	sdelay $0x1  }
0x198: {  	v4 =	vadd.s32 v1, v4;
	_ =	sdelay $0x4  }
0x199: {  	[tilespmem:s1], [sflag:$0x3] =	stream.indirect_vreg.gather [hbm4b:s2+s3], $0x80, v4, vm0, $0xb8;
	[tilespmem:$0x18100] =	vst v63  }
0x19a: {  	s4 =	simm.s32 $0x8900;
	v3 =	vperm.xlane v3, v2  }
0x19b: {  	[tilespmem:s4], [sflag:$0x3] =	stream.indirect_vreg.gather [hbm4b:s5+s3], $0x80, v4, vm0, $0xb8;
	[tilespmem:$0x18100] =	vst v63  }
0x19c: {  	v3 =	vadd.s32 v1, v3;
	s4 =	simm.s32 $0x9100  }
0x19d: {  	[tilespmem:s4], [sflag:$0x3] =	stream.indirect_vreg.gather [hbm4b:s6+s3], $0x80, v4, vm0, $0xb8;
	[tilespmem:$0x18100] =	vst v63  }
0x19e: {  	s4 =	simm.s32 $0x9900  }
0x19f: {  	[tilespmem:s4], [sflag:$0x3] =	stream.indirect_vreg.gather [hbm4b:s7+s3], $0x80, v4, vm0, $0xb8;
	[tilespmem:$0x18100] =	vst v63  }
0x1a0: {  	s4 =	simm.s32 $0xA100  }
0x1a1: {  	[tilespmem:s4], [sflag:$0x3] =	stream.indirect_vreg.gather [hbm4b:s2+s3], $0x80, v3, vm0, $0xb8;
	[tilespmem:$0x18100] =	vst v63  }
0x1a2: {  	s4 =	simm.s32 $0xA900  }
0x1a3: {  	[tilespmem:s4], [sflag:$0x3] =	stream.indirect_vreg.gather [hbm4b:s5+s3], $0x80, v3, vm0, $0xb8;
	[tilespmem:$0x18100] =	vst v63  }
0x1a4: {  	s4 =	simm.s32 $0xB100  }
0x1a5: {  	[tilespmem:s4], [sflag:$0x3] =	stream.indirect_vreg.gather [hbm4b:s6+s3], $0x80, v3, vm0, $0xb8;
	[tilespmem:$0x18100] =	vst v63  }
0x1a6: {  	s4 =	simm.s32 $0xB900  }
0x1a7: {  	[tilespmem:s4], [sflag:$0x3] =	stream.indirect_vreg.gather [hbm4b:s7+s3], $0x80, v3, vm0, $0xb8;
	[tilespmem:$0x18100] =	vst v63  }
0x1a8: {  	_ =	swait.ge [sflag:s29], $0x4000  }
0x1a9: {  	[sflag:s29] =	ssyncset.done $0x0  }
0x1aa: {  	s4 =	rddreg [dreg:$0xe];
	[sflag:s29] =	ssyncadd.s32 $0xFFFFC000  }
0x1ab: {  	[hbm4b:s4+s3] =	stream.linear.scatter [tilespmem:s9], [sflag:$0xB], $0x4000, $0x38;
	[tilespmem:$0x18100] =	vst v63  }
0x1ac: {  	_ =	swait.ge [sflag:s30], $0x4000  }
0x1ad: {  	[sflag:s30] =	ssyncset.done $0x0  }
0x1ae: {  	[sflag:s30] =	ssyncadd.s32 $0xFFFFC000  }
0x1af: {  	v3 =	vld.msk [tilespmem:$0xF0], $0xff;
	_ =	sdelay $0x4  }
0x1b0: {  	v62 =	vshll.u32 v3, $0x3  }
0x1b1: {  	v3 =	vand.u32 $0x7, v3;
	v4 =	vand.u32 $0xFFFFFFC0, v62  }
0x1b2: {  	v3 =	vor.u32 v3, v4  }
0x1b3: {  	v3 =	vperm.xlane v3, v0;
	_ =	sdelay $0x1  }
0x1b4: {  	v3 =	vadd.s32 v1, v3;
	_ =	sdelay $0x4  }
0x1b5: {  	[tilespmem:s19], [sflag:$0x4] =	stream.indirect_vreg.gather [hbm4b:s2+s3], $0x80, v3, vm0, $0xb8;
	[tilespmem:$0x18100] =	vst v63  }
0x1b6: {  	s4 =	simm.s32 $0xC900  }
0x1b7: {  	[tilespmem:s4], [sflag:$0x4] =	stream.indirect_vreg.gather [hbm4b:s5+s3], $0x80, v3, vm0, $0xb8;
	[tilespmem:$0x18100] =	vst v63  }
0x1b8: {  	s4 =	simm.s32 $0xD100  }
0x1b9: {  	[tilespmem:s4], [sflag:$0x4] =	stream.indirect_vreg.gather [hbm4b:s6+s3], $0x80, v3, vm0, $0xb8;
	[tilespmem:$0x18100] =	vst v63  }
0x1ba: {  	s4 =	simm.s32 $0xD900  }
0x1bb: {  	[tilespmem:s4], [sflag:$0x4] =	stream.indirect_vreg.gather [hbm4b:s7+s3], $0x80, v3, vm0, $0xb8;
	[tilespmem:$0x18100] =	vst v63  }
0x1bc: {  	_ =	swait.ge [sflag:s10], $0x4000  }
0x1bd: {  	[sflag:s10] =	ssyncset.done $0x0  }
0x1be: {  	s4 =	rddreg [dreg:$0xf];
	[sflag:s10] =	ssyncadd.s32 $0xFFFFC000  }
0x1bf: {  	[hbm4b:s4+s3] =	stream.linear.scatter [tilespmem:s15], [sflag:$0xC], $0x4000, $0x38;
	[tilespmem:$0x18100] =	vst v63  }
0x1c0: {  	_ =	swait.ge [sflag:s0], $0x4000  }
0x1c1: {  	[sflag:s0] =	ssyncset.done $0x0  }
0x1c2: {  	[sflag:s0] =	ssyncadd.s32 $0xFFFFC000  }
0x1c3: {  	v3 =	vld.msk [tilespmem:$0xF8], $0xff;
	_ =	sdelay $0x4  }
0x1c4: {  	v63 =	vshll.u32 v3, $0x3  }
0x1c5: {  	v3 =	vand.u32 $0x7, v3;
	v4 =	vand.u32 $0xFFFFFFC0, v63  }
0x1c6: {  	v3 =	vor.u32 v3, v4  }
0x1c7: {  	v3 =	vperm.xlane v3, v0;
	_ =	sdelay $0x1  }
0x1c8: {  	v3 =	vadd.s32 v1, v3;
	_ =	sdelay $0x4  }
0x1c9: {  	[tilespmem:s9], [sflag:$0x5] =	stream.indirect_vreg.gather [hbm4b:s2+s3], $0x80, v3, vm0, $0xb8;
	[tilespmem:$0x18100] =	vst v63  }
0x1ca: {  	s10 =	simm.s32 $0x10900  }
0x1cb: {  	[tilespmem:s10], [sflag:$0x5] =	stream.indirect_vreg.gather [hbm4b:s5+s3], $0x80, v3, vm0, $0xb8;
	[tilespmem:$0x18100] =	vst v63  }
0x1cc: {  	s13 =	simm.s32 $0x11100  }
0x1cd: {  	[tilespmem:s13], [sflag:$0x5] =	stream.indirect_vreg.gather [hbm4b:s6+s3], $0x80, v3, vm0, $0xb8;
	[tilespmem:$0x18100] =	vst v63  }
0x1ce: {  	s12 =	simm.s32 $0x11900  }
0x1cf: {  	[tilespmem:s12], [sflag:$0x5] =	stream.indirect_vreg.gather [hbm4b:s7+s3], $0x80, v3, vm0, $0xb8;
	[tilespmem:$0x18100] =	vst v63  }
0x1d0: {  	_ =	swait.ge [sflag:s14], $0x4000  }
0x1d1: {  	[sflag:s14] =	ssyncset.done $0x0  }
0x1d2: {  	s12 =	rddreg [dreg:$0x10];
	[sflag:s14] =	ssyncadd.s32 $0xFFFFC000  }
0x1d3: {  	[hbm4b:s12+s3] =	stream.linear.scatter [tilespmem:s18], [sflag:$0x7], $0x4000, $0x38;
	[tilespmem:$0x18100] =	vst v63  }
0x1d4: {  	_ =	swait.ge [sflag:s21], $0x4000  }
0x1d5: {  	[sflag:s21] =	ssyncset.done $0x0  }
0x1d6: {  	s13 =	rddreg [dreg:$0x11];
	[sflag:s21] =	ssyncadd.s32 $0xFFFFC000  }
0x1d7: {  	[hbm4b:s13+s3] =	stream.linear.scatter [tilespmem:s26], [sflag:$0x8], $0x4000, $0x38;
	[tilespmem:$0x18100] =	vst v63  }
0x1d8: {  	_ =	swait.ge [sflag:s23], $0x4000  }
0x1d9: {  	[sflag:s23] =	ssyncset.done $0x0  }
0x1da: {  	s10 =	rddreg [dreg:$0x12];
	[sflag:s23] =	ssyncadd.s32 $0xFFFFC000  }
0x1db: {  	[hbm4b:s10+s3] =	stream.linear.scatter [tilespmem:s1], [sflag:$0x9], $0x4000, $0x38;
	[tilespmem:$0x18100] =	vst v63  }
0x1dc: {  	_ =	swait.ge [sflag:s25], $0x2000  }
0x1dd: {  	[sflag:s25] =	ssyncset.done $0x0  }
0x1de: {  	s12 =	rddreg [dreg:$0x13];
	[sflag:s25] =	ssyncadd.s32 $0xFFFFE000  }
0x1df: {  	[hbm4b:s12+s3] =	stream.linear.scatter [tilespmem:s19], [sflag:$0xA], $0x2000, $0x38;
	[tilespmem:$0x18100] =	vst v63  }
0x1e0: {  	_ =	swait.ge [sflag:s29], $0x2000  }
0x1e1: {  	[sflag:s29] =	ssyncset.done $0x0  }
0x1e2: {  	s13 =	rddreg [dreg:$0x14];
	[sflag:s29] =	ssyncadd.s32 $0xFFFFE000  }
0x1e3: {  	[hbm4b:s13+s3] =	stream.linear.scatter [tilespmem:s9], [sflag:$0xB], $0x2000, $0x38;
	[tilespmem:$0x18100] =	vst v63  }
0x1e4: {  	_ =	swait.ge [sflag:s22], $0x4000  }
0x1e5: {  	[sflag:s22] =	ssyncset.done $0x0  }
0x1e6: {  	[sflag:s22] =	ssyncadd.s32 $0xFFFFC000  }
0x1e7: {  	_ =	swait.ge [sflag:s24], $0x4000  }
0x1e8: {  	[sflag:s24] =	ssyncset.done $0x0  }
0x1e9: {  	[sflag:s24] =	ssyncadd.s32 $0xFFFFC000  }
0x1ea: {  	_ =	swait.ge [sflag:s28], $0x4000  }
0x1eb: {  	[sflag:s28] =	ssyncset.done $0x0  }
0x1ec: {  	[sflag:s28] =	ssyncadd.s32 $0xFFFFC000  }
0x1ed: {  	_ =	swait.ge [sflag:s30], $0x2000  }
0x1ee: {  	[sflag:s30] =	ssyncset.done $0x0  }
0x1ef: {  	[sflag:s30] =	ssyncadd.s32 $0xFFFFE000  }
0x1f0: {  	p0 =	sne.s32 s8, $0x1;
	_ =	swait.ge [sflag:s0], $0x2000  }
.Ltmp0:
0x1f1: {  	[sflag:s0] =	ssyncset.done $0x0;
	(pc) =	sbr.rel @p0 .LBB2_1-.Ltmp0, $4  }
0x1f2: {  	[sflag:s0] =	ssyncadd.s32 $0xFFFFE000  }
0x1f3: {  	_ =	swait.ge [sflag:s11], $0x4000  }
0x1f4: {  	[sflag:s11] =	ssyncset.done $0x0  }
0x1f5: {  	s8 =	sadd.s32 $0xFFFFFFFF, s8;
	[sflag:s11] =	ssyncadd.s32 $0xFFFFC000  }
0x1f6: {  	_ =	sfence.sel $0x180000  }
0x1f7: {  	[bflag:$0x0] =	sbarrier.arrive $0xFFFF  }
0x1f8: {  	_ =	strace $0x90000047  }
0x1f9: {  	s0 =	stileid.u32;
	[bflag:$0x2] =	sbarrier.arrive $0xFFFF  }
0x1fa: {  	p0 =	sne.s32 s0, $0x0;
	s0 =	rddreg [dreg:$0x3]  }
0x1fb: {  	s0 =	sadd.s32 @!p0 $0x100000, s0  }
0x1fc: {  	[sflag:s0] =	ssyncadd.tile.s32 @!p0 $0x1;
	_ =	shalt  }
.Lfunc_end2:
_tile_overlayer_lowered:
.L_overlay_start_2:
0x1fd: {  	(tag) =	ssettag $0x2  }
0x1fe: {  	s0 =	rddreg [dreg:$0x0];
	s2 =	stileid.u32  }
0x1ff: {  	s1 =	rddreg [dreg:$0x1];
	p0 =	sne.s32 s2, $0x0  }
0x200: {  	s3 =	rddreg [dreg:$0x2];
	[bflag:$0x3] =	sbarrier.arrive $0xFFFF;
	s2 =	simm.s32 @!p0 $0x1C0D  }
0x201: {  	[timem:s3], [sflag:s2] =	dma.local @!p0 [hbm:s0], s1  }
0x202: {  	s0 =	simm.s32 @!p0 $0xD  }
0x203: {  	_ =	swait.ge @!p0 [sflag:s0], s1  }
0x204: {  	s1 =	ssub.s32 @!p0 $0x0, s1;
	[sflag:s0] =	ssyncset.done @!p0 $0x0  }
0x205: {  	[sflag:s0] =	ssyncadd.s32 @!p0 s1  }
0x206: {  	[bflag:$0x3] =	sbarrier.arrive $0xFFFF  }
0x207: {  	_ =	shalt  }

</sc_bundles>
